<compile_context>
chip_gen: v7x
topology: tpu7x:2x2x1
jax: 0.10.2.dev20260603
libtpu: 0.0.44.dev20260713+nightly
codegen_flags: <defaults>
</compile_context>

<pallas_src>
import jax
import jax.numpy as jnp
from jax import lax
from jax.experimental import pallas as pl
from jax.experimental.pallas import tpu as pltpu
from jax.experimental.pallas import tpu_sc as plsc

_L = 16
_DIM = 64
_TILE = 128


def _tec_body(idx_hbm, at_hbm, bt_hbm, c1_hbm, c2_hbm, out_hbm,
              ixv, abuf, bbuf, cb1, cb2, res, sem):
    @pl.when(jnp.logical_and(lax.axis_index("c") == 0,
                             lax.axis_index("s") == 0))
    def _():
        pltpu.sync_copy(idx_hbm, ixv)
        iv = ixv[...]
        xs = iv[0]
        ys = iv[8]
        xt = pl.multiple_of((xs // _TILE) * _TILE, _TILE)
        yt = pl.multiple_of((ys // _TILE) * _TILE, _TILE)
        d1 = pltpu.async_copy(at_hbm.at[:, pl.ds(xt, _TILE)], abuf, sem)
        d2 = pltpu.async_copy(bt_hbm.at[:, pl.ds(yt, _TILE)], bbuf, sem)
        d3 = pltpu.async_copy(c1_hbm.at[pl.ds(xt, _TILE)], cb1, sem)
        d4 = pltpu.async_copy(c2_hbm.at[pl.ds(yt, _TILE)], cb2, sem)
        d1.wait()
        d2.wait()
        d3.wait()
        d4.wait()
        lx = xs - xt
        ly = ys - yt
        bx = jnp.minimum(lx, _TILE - _L)
        by = jnp.minimum(ly, _TILE - _L)
        jxv = jnp.full((_L,), lx - bx, jnp.int32)
        jyv = jnp.full((_L,), ly - by, jnp.int32)

        acc = jnp.zeros((_L,), jnp.float32)
        for d in range(_DIM):
            va = abuf[d, pl.ds(bx, _L)]
            vb = bbuf[d, pl.ds(by, _L)]
            aa = va.at[jxv].get(mode="promise_in_bounds")
            acc = acc + aa * vb
        dot_all = acc.at[jyv].get(mode="promise_in_bounds")
        b1 = cb1[pl.ds(bx, _L)].at[jxv].get(mode="promise_in_bounds")
        b2 = cb2[pl.ds(by, _L)].at[jyv].get(mode="promise_in_bounds")
        res[...] = dot_all + b1 + b2
        pltpu.sync_copy(res.at[pl.ds(0, 1)], out_hbm)


def kernel(x, y, A, B, c1, c2):
    xi = jnp.asarray(x, jnp.int32)
    yi = jnp.asarray(y, jnp.int32)
    idx = jnp.where(jnp.arange(16) < 8, xi, yi)
    run = pl.kernel(
        _tec_body,
        mesh=plsc.VectorSubcoreMesh(core_axis_name="c", subcore_axis_name="s",
                                    num_cores=1, num_subcores=1),
        out_type=jax.ShapeDtypeStruct((1,), jnp.float32),
        scratch_types=[
            pltpu.VMEM((_L,), jnp.int32),
            pltpu.VMEM((_DIM, _TILE), jnp.float32),
            pltpu.VMEM((_DIM, _TILE), jnp.float32),
            pltpu.VMEM((_TILE,), jnp.float32),
            pltpu.VMEM((_TILE,), jnp.float32),
            pltpu.VMEM((_L,), jnp.float32),
            pltpu.SemaphoreType.DMA,
        ],
    )
    return run(idx, A.T, B.T, jnp.reshape(c1, (-1,)), jnp.reshape(c2, (-1,)))

# --- scband reference (transcript-rebuilt; emitter-appended) ---
"""Pipeline reference for scband-matrix-factorize-16363825397955 (READ-ONLY COPY).

The authoritative reference and input builder live on the scoring server;
editing this copy changes nothing except your own understanding.
"""

import jax, jax.numpy as jnp
import numpy as np

X_ROWS = 100000
Y_ROWS = 100000
DIM = 64


def setup_inputs(seed: int = 0) -> dict:
    key = jax.random.key(seed)
    k1, k2, k3, k4 = jax.random.split(key, 4)
    return {
        "x": 12345,
        "y": 54321,
        "A": jax.random.normal(k1, (X_ROWS, DIM), dtype=jnp.float32),
        "B": jax.random.normal(k2, (Y_ROWS, DIM), dtype=jnp.float32),
        "c1": jax.random.normal(k3, (X_ROWS, 1), dtype=jnp.float32),
        "c2": jax.random.normal(k4, (Y_ROWS, 1), dtype=jnp.float32),
    }


def reference(x, y, A, B, c1, c2):
    # Faithful translation of MatrixFactorize.forward for scalar indices x, y.
    idx_x = jnp.array([x], dtype=jnp.int32)
    idx_y = jnp.array([y], dtype=jnp.int32)
    A_x = jnp.take(A, idx_x, axis=0)      # [1, DIM]  (embedding gather)
    c_x = jnp.take(c1, idx_x, axis=0)     # [1, 1]
    B_y = jnp.take(B, idx_y, axis=0)      # [1, DIM]
    c_y = jnp.take(c2, idx_y, axis=0)     # [1, 1]
    output = jnp.matmul(A_x, B_y.T)       # [1, 1]
    output = output + c_x + c_y           # bias=True path
    return jnp.ravel(output)              # [1]

if __name__ == "__main__":
    import jax
    _d = setup_inputs()
    print(jax.jit(kernel)(*tuple(_d.values())))

</pallas_src>

<mosaic_0001>
#map = affine_map<(d0, d1) -> (0)>
#map1 = affine_map<(d0, d1) -> (0, 0)>
module attributes {stable_mosaic.version = 14 : i64} {
  func.func @_tec_body(%arg0: i32, %arg1: i32, %arg2: memref<16xi32, #tpu.memory_space<hbm>>, %arg3: memref<64x100000xf32, #tpu.memory_space<hbm>>, %arg4: memref<64x100000xf32, #tpu.memory_space<hbm>>, %arg5: memref<100000xf32, #tpu.memory_space<hbm>>, %arg6: memref<100000xf32, #tpu.memory_space<hbm>>, %arg7: memref<1xf32, #tpu.memory_space<hbm>>, %arg8: memref<16xi32, #tpu.memory_space<vmem>>, %arg9: memref<64x128xf32, #tpu.memory_space<vmem>>, %arg10: memref<64x128xf32, #tpu.memory_space<vmem>>, %arg11: memref<128xf32, #tpu.memory_space<vmem>>, %arg12: memref<128xf32, #tpu.memory_space<vmem>>, %arg13: memref<16xf32, #tpu.memory_space<vmem>>, %arg14: memref<!tpu.dma_semaphore, #tpu.memory_space<semaphore_mem>>) attributes {dimension_semantics = [#tpu.dimension_semantics<core_parallel>, #tpu.dimension_semantics<subcore_parallel>], iteration_bounds = array<i64: 1, 1>, scalar_prefetch = 0 : i64, scratch_operands = 7 : i64, tpu.core_type = #tpu.core_type<sc_vector_subcore>, window_params = [{transform_indices = #map}, {transform_indices = #map1}, {transform_indices = #map1}, {transform_indices = #map}, {transform_indices = #map}, {transform_indices = #map}]} {
    %eq3A = arith.constant 0 : i32
    %eq3A_0 = arith.cmpi eq, %arg0, %eq3A : i32
    %eq3A_1 = arith.constant 0 : i32
    %eq3A_2 = arith.cmpi eq, %arg1, %eq3A_1 : i32
    %and3A = arith.andi %eq3A_0, %eq3A_2 : i1
    %convert_element_type3A = arith.extui %and3A : i1 to i32
    %cond3A = arith.constant 0 : i32
    %cond3A_3 = arith.cmpi ne, %convert_element_type3A, %cond3A : i32
    scf.if %cond3A_3 {
      "tpu.region"() ({
        %run_scoped3A = tpu.sem_alloc : memref<!tpu.dma_semaphore, #tpu.memory_space<semaphore_mem>>
        tpu.enqueue_dma source(%arg2 : memref<16xi32, #tpu.memory_space<hbm>>) target(%arg8 : memref<16xi32, #tpu.memory_space<vmem>>) target_semaphore(%run_scoped3A : memref<!tpu.dma_semaphore, #tpu.memory_space<semaphore_mem>>)
        tpu.wait_dma2 semaphore(%run_scoped3A : memref<!tpu.dma_semaphore, #tpu.memory_space<semaphore_mem>>) src(%arg2 : memref<16xi32, #tpu.memory_space<hbm>>) dst(%arg8 : memref<16xi32, #tpu.memory_space<vmem>>)
        tpu.yield
      }) : () -> ()
      %get3A = arith.constant 0 : index
      %get3A_4 = tpu.vector_load %arg8[%get3A] {strides = array<i32>} : memref<16xi32, #tpu.memory_space<vmem>>, vector<16xi32>,
      %get3A_5 = vector.shape_cast %get3A_4 : vector<16xi32> to vector<16xi32>
      %slice3A = vector.extract_strided_slice %get3A_5 {offsets = [0], sizes = [1], strides = [1]} : vector<16xi32> to vector<1xi32>
      %squeeze3A = vector.extract %slice3A[0] : i32 from vector<1xi32>
      %slice3A_6 = vector.extract_strided_slice %get3A_5 {offsets = [8], sizes = [1], strides = [1]} : vector<16xi32> to vector<1xi32>
      %squeeze3A_7 = vector.extract %slice3A_6[0] : i32 from vector<1xi32>
      %jit3A = arith.constant 128 : i32
      %div3A = arith.divsi %squeeze3A, %jit3A : i32
      %sign3A = arith.constant 0 : i32
      %sign3A_8 = arith.cmpi sgt, %squeeze3A, %sign3A : i32
      %sign3A_9 = arith.extui %sign3A_8 : i1 to i32
      %sign3A_10 = arith.constant 0 : i32
      %sign3A_11 = arith.cmpi slt, %squeeze3A, %sign3A_10 : i32
      %sign3A_12 = arith.extui %sign3A_11 : i1 to i32
      %sign3A_13 = arith.subi %sign3A_9, %sign3A_12 : i32
      %sign3A_14 = arith.constant 0 : i32
      %sign3A_15 = arith.cmpi sgt, %jit3A, %sign3A_14 : i32
      %sign3A_16 = arith.extui %sign3A_15 : i1 to i32
      %sign3A_17 = arith.constant 0 : i32
      %sign3A_18 = arith.cmpi slt, %jit3A, %sign3A_17 : i32
      %sign3A_19 = arith.extui %sign3A_18 : i1 to i32
      %sign3A_20 = arith.subi %sign3A_16, %sign3A_19 : i32
      %ne3A = arith.cmpi ne, %sign3A_13, %sign3A_20 : i32
      %rem3A = arith.remsi %squeeze3A, %jit3A : i32
      %ne3A_21 = arith.constant 0 : i32
      %ne3A_22 = arith.cmpi ne, %rem3A, %ne3A_21 : i32
      %and3A_23 = arith.andi %ne3A, %ne3A_22 : i1
      %sub3A = arith.constant 1 : i32
      %sub3A_24 = arith.subi %div3A, %sub3A : i32
      %select_n3A = arith.select %and3A_23, %sub3A_24, %div3A : i32
      %mul3A = arith.constant 128 : i32
      %mul3A_25 = arith.muli %select_n3A, %mul3A : i32
      %multiple_of3A = tpu.assume_multiple %mul3A_25, 128 : i32
      %jit3A_26 = arith.constant 128 : i32
      %div3A_27 = arith.divsi %squeeze3A_7, %jit3A_26 : i32
      %sign3A_28 = arith.constant 0 : i32
      %sign3A_29 = arith.cmpi sgt, %squeeze3A_7, %sign3A_28 : i32
      %sign3A_30 = arith.extui %sign3A_29 : i1 to i32
      %sign3A_31 = arith.constant 0 : i32
      %sign3A_32 = arith.cmpi slt, %squeeze3A_7, %sign3A_31 : i32
      %sign3A_33 = arith.extui %sign3A_32 : i1 to i32
      %sign3A_34 = arith.subi %sign3A_30, %sign3A_33 : i32
      %sign3A_35 = arith.constant 0 : i32
      %sign3A_36 = arith.cmpi sgt, %jit3A_26, %sign3A_35 : i32
      %sign3A_37 = arith.extui %sign3A_36 : i1 to i32
      %sign3A_38 = arith.constant 0 : i32
      %sign3A_39 = arith.cmpi slt, %jit3A_26, %sign3A_38 : i32
      %sign3A_40 = arith.extui %sign3A_39 : i1 to i32
      %sign3A_41 = arith.subi %sign3A_37, %sign3A_40 : i32
      %ne3A_42 = arith.cmpi ne, %sign3A_34, %sign3A_41 : i32
      %rem3A_43 = arith.remsi %squeeze3A_7, %jit3A_26 : i32
      %ne3A_44 = arith.constant 0 : i32
      %ne3A_45 = arith.cmpi ne, %rem3A_43, %ne3A_44 : i32
      %and3A_46 = arith.andi %ne3A_42, %ne3A_45 : i1
      %sub3A_47 = arith.constant 1 : i32
      %sub3A_48 = arith.subi %div3A_27, %sub3A_47 : i32
      %select_n3A_49 = arith.select %and3A_46, %sub3A_48, %div3A_27 : i32
      %mul3A_50 = arith.constant 128 : i32
      %mul3A_51 = arith.muli %select_n3A_49, %mul3A_50 : i32
      %multiple_of3A_52 = tpu.assume_multiple %mul3A_51, 128 : i32
      %dma_start3A = arith.constant 0 : i32
      %dma_start3A_53 = tpu.memref_slice %arg3[%dma_start3A, %multiple_of3A] : memref<64x100000xf32, #tpu.memory_space<hbm>> -> memref<64x128xf32, #tpu.memory_space<hbm>>
      %dma_start3A_54 = arith.constant 0 : i32
      %dma_start3A_55 = tpu.memref_slice %arg3[%dma_start3A_54, %multiple_of3A] : memref<64x100000xf32, #tpu.memory_space<hbm>> -> memref<64x128xf32, #tpu.memory_space<hbm>>
      tpu.enqueue_dma source(%dma_start3A_55 : memref<64x128xf32, #tpu.memory_space<hbm>>) target(%arg9 : memref<64x128xf32, #tpu.memory_space<vmem>>) target_semaphore(%arg14 : memref<!tpu.dma_semaphore, #tpu.memory_space<semaphore_mem>>)
      %dma_start3A_56 = arith.constant 0 : i32
      %dma_start3A_57 = tpu.memref_slice %arg4[%dma_start3A_56, %multiple_of3A_52] : memref<64x100000xf32, #tpu.memory_space<hbm>> -> memref<64x128xf32, #tpu.memory_space<hbm>>
      %dma_start3A_58 = arith.constant 0 : i32
      %dma_start3A_59 = tpu.memref_slice %arg4[%dma_start3A_58, %multiple_of3A_52] : memref<64x100000xf32, #tpu.memory_space<hbm>> -> memref<64x128xf32, #tpu.memory_space<hbm>>
      tpu.enqueue_dma source(%dma_start3A_59 : memref<64x128xf32, #tpu.memory_space<hbm>>) target(%arg10 : memref<64x128xf32, #tpu.memory_space<vmem>>) target_semaphore(%arg14 : memref<!tpu.dma_semaphore, #tpu.memory_space<semaphore_mem>>)
      %dma_start3A_60 = tpu.memref_slice %arg5[%multiple_of3A] : memref<100000xf32, #tpu.memory_space<hbm>> -> memref<128xf32, #tpu.memory_space<hbm>>
      %dma_start3A_61 = tpu.memref_slice %arg5[%multiple_of3A] : memref<100000xf32, #tpu.memory_space<hbm>> -> memref<128xf32, #tpu.memory_space<hbm>>
      tpu.enqueue_dma source(%dma_start3A_61 : memref<128xf32, #tpu.memory_space<hbm>>) target(%arg11 : memref<128xf32, #tpu.memory_space<vmem>>) target_semaphore(%arg14 : memref<!tpu.dma_semaphore, #tpu.memory_space<semaphore_mem>>)
      %dma_start3A_62 = tpu.memref_slice %arg6[%multiple_of3A_52] : memref<100000xf32, #tpu.memory_space<hbm>> -> memref<128xf32, #tpu.memory_space<hbm>>
      %dma_start3A_63 = tpu.memref_slice %arg6[%multiple_of3A_52] : memref<100000xf32, #tpu.memory_space<hbm>> -> memref<128xf32, #tpu.memory_space<hbm>>
      tpu.enqueue_dma source(%dma_start3A_63 : memref<128xf32, #tpu.memory_space<hbm>>) target(%arg12 : memref<128xf32, #tpu.memory_space<vmem>>) target_semaphore(%arg14 : memref<!tpu.dma_semaphore, #tpu.memory_space<semaphore_mem>>)
      %dma_wait3A = arith.constant 0 : i32
      %dma_wait3A_64 = tpu.memref_slice %arg3[%dma_wait3A, %multiple_of3A] : memref<64x100000xf32, #tpu.memory_space<hbm>> -> memref<64x128xf32, #tpu.memory_space<hbm>>
      %dma_wait3A_65 = arith.constant 0 : i32
      %dma_wait3A_66 = tpu.memref_slice %arg3[%dma_wait3A_65, %multiple_of3A] : memref<64x100000xf32, #tpu.memory_space<hbm>> -> memref<64x128xf32, #tpu.memory_space<hbm>>
      tpu.wait_dma2 semaphore(%arg14 : memref<!tpu.dma_semaphore, #tpu.memory_space<semaphore_mem>>) src(%dma_wait3A_66 : memref<64x128xf32, #tpu.memory_space<hbm>>) dst(%arg9 : memref<64x128xf32, #tpu.memory_space<vmem>>)
      %dma_wait3A_67 = arith.constant 0 : i32
      %dma_wait3A_68 = tpu.memref_slice %arg4[%dma_wait3A_67, %multiple_of3A_52] : memref<64x100000xf32, #tpu.memory_space<hbm>> -> memref<64x128xf32, #tpu.memory_space<hbm>>
      %dma_wait3A_69 = arith.constant 0 : i32
      %dma_wait3A_70 = tpu.memref_slice %arg4[%dma_wait3A_69, %multiple_of3A_52] : memref<64x100000xf32, #tpu.memory_space<hbm>> -> memref<64x128xf32, #tpu.memory_space<hbm>>
      tpu.wait_dma2 semaphore(%arg14 : memref<!tpu.dma_semaphore, #tpu.memory_space<semaphore_mem>>) src(%dma_wait3A_70 : memref<64x128xf32, #tpu.memory_space<hbm>>) dst(%arg10 : memref<64x128xf32, #tpu.memory_space<vmem>>)
      %dma_wait3A_71 = tpu.memref_slice %arg5[%multiple_of3A] : memref<100000xf32, #tpu.memory_space<hbm>> -> memref<128xf32, #tpu.memory_space<hbm>>
      %dma_wait3A_72 = tpu.memref_slice %arg5[%multiple_of3A] : memref<100000xf32, #tpu.memory_space<hbm>> -> memref<128xf32, #tpu.memory_space<hbm>>
      tpu.wait_dma2 semaphore(%arg14 : memref<!tpu.dma_semaphore, #tpu.memory_space<semaphore_mem>>) src(%dma_wait3A_72 : memref<128xf32, #tpu.memory_space<hbm>>) dst(%arg11 : memref<128xf32, #tpu.memory_space<vmem>>)
      %dma_wait3A_73 = tpu.memref_slice %arg6[%multiple_of3A_52] : memref<100000xf32, #tpu.memory_space<hbm>> -> memref<128xf32, #tpu.memory_space<hbm>>
      %dma_wait3A_74 = tpu.memref_slice %arg6[%multiple_of3A_52] : memref<100000xf32, #tpu.memory_space<hbm>> -> memref<128xf32, #tpu.memory_space<hbm>>
      tpu.wait_dma2 semaphore(%arg14 : memref<!tpu.dma_semaphore, #tpu.memory_space<semaphore_mem>>) src(%dma_wait3A_74 : memref<128xf32, #tpu.memory_space<hbm>>) dst(%arg12 : memref<128xf32, #tpu.memory_space<vmem>>)
      %sub3A_75 = arith.subi %squeeze3A, %multiple_of3A : i32
      %sub3A_76 = arith.subi %squeeze3A_7, %multiple_of3A_52 : i32
      %min3A = arith.constant 112 : i32
      %min3A_77 = arith.minsi %sub3A_75, %min3A : i32
      %min3A_78 = arith.constant 112 : i32
      %min3A_79 = arith.minsi %sub3A_76, %min3A_78 : i32
      %sub3A_80 = arith.subi %sub3A_75, %min3A_77 : i32
      %broadcast_in_dim3A = vector.broadcast %sub3A_80 : i32 to vector<16xi32>
      %sub3A_81 = arith.subi %sub3A_76, %min3A_79 : i32
      %broadcast_in_dim3A_82 = vector.broadcast %sub3A_81 : i32 to vector<16xi32>
      %broadcast_in_dim3A_83 = arith.constant 0.000000e+00 : f32
      %broadcast_in_dim3A_84 = vector.broadcast %broadcast_in_dim3A_83 : f32 to vector<16xf32>
      %get3A_85 = arith.constant 0 : i32
      %get3A_86 = arith.index_cast %get3A_85 : i32 to index
      %get3A_87 = arith.index_cast %min3A_77 : i32 to index
      %get3A_88 = tpu.vector_load %arg9[%get3A_86, %get3A_87] {strides = array<i32>} : memref<64x128xf32, #tpu.memory_space<vmem>>, vector<1x16xf32>,
      %get3A_89 = vector.shape_cast %get3A_88 : vector<1x16xf32> to vector<16xf32>
      %get3A_90 = arith.constant 0 : i32
      %get3A_91 = arith.index_cast %get3A_90 : i32 to index
      %get3A_92 = arith.index_cast %min3A_79 : i32 to index
      %get3A_93 = tpu.vector_load %arg10[%get3A_91, %get3A_92] {strides = array<i32>} : memref<64x128xf32, #tpu.memory_space<vmem>>, vector<1x16xf32>,
      %get3A_94 = vector.shape_cast %get3A_93 : vector<1x16xf32> to vector<16xf32>
      %lt3A = arith.constant 0 : i32
      %lt3A_95 = vector.broadcast %lt3A : i32 to vector<16xi32>
      %lt3A_96 = arith.cmpi slt, %broadcast_in_dim3A, %lt3A_95 : vector<16xi32>
      %add3A = arith.constant 16 : i32
      %add3A_97 = vector.broadcast %add3A : i32 to vector<16xi32>
      %add3A_98 = arith.addi %broadcast_in_dim3A, %add3A_97 : vector<16xi32>
      %select_n3A_99 = arith.select %lt3A_96, %add3A_98, %broadcast_in_dim3A : vector<16xi1>, vector<16xi32>
      %broadcast_in_dim3A_100 = vector.shape_cast %select_n3A_99 : vector<16xi32> to vector<16x1xi32>
      %gather3A = vector.shape_cast %broadcast_in_dim3A_100 : vector<16x1xi32> to vector<16xi32>
      %gather3A_101 = tpu.dynamic_gather %get3A_89[%gather3A] in [0] : vector<16xf32>, vector<16xi32> -> vector<16xf32>
      %mul3A_102 = arith.mulf %gather3A_101, %get3A_94 : vector<16xf32>
      %add3A_103 = arith.addf %broadcast_in_dim3A_84, %mul3A_102 : vector<16xf32>
      %get3A_104 = arith.constant 1 : i32
      %get3A_105 = arith.index_cast %get3A_104 : i32 to index
      %get3A_106 = arith.index_cast %min3A_77 : i32 to index
      %get3A_107 = tpu.vector_load %arg9[%get3A_105, %get3A_106] {strides = array<i32>} : memref<64x128xf32, #tpu.memory_space<vmem>>, vector<1x16xf32>,
      %get3A_108 = vector.shape_cast %get3A_107 : vector<1x16xf32> to vector<16xf32>
      %get3A_109 = arith.constant 1 : i32
      %get3A_110 = arith.index_cast %get3A_109 : i32 to index
      %get3A_111 = arith.index_cast %min3A_79 : i32 to index
      %get3A_112 = tpu.vector_load %arg10[%get3A_110, %get3A_111] {strides = array<i32>} : memref<64x128xf32, #tpu.memory_space<vmem>>, vector<1x16xf32>,
      %get3A_113 = vector.shape_cast %get3A_112 : vector<1x16xf32> to vector<16xf32>
      %lt3A_114 = arith.constant 0 : i32
      %lt3A_115 = vector.broadcast %lt3A_114 : i32 to vector<16xi32>
      %lt3A_116 = arith.cmpi slt, %broadcast_in_dim3A, %lt3A_115 : vector<16xi32>
      %add3A_117 = arith.constant 16 : i32
      %add3A_118 = vector.broadcast %add3A_117 : i32 to vector<16xi32>
      %add3A_119 = arith.addi %broadcast_in_dim3A, %add3A_118 : vector<16xi32>
      %select_n3A_120 = arith.select %lt3A_116, %add3A_119, %broadcast_in_dim3A : vector<16xi1>, vector<16xi32>
      %broadcast_in_dim3A_121 = vector.shape_cast %select_n3A_120 : vector<16xi32> to vector<16x1xi32>
      %gather3A_122 = vector.shape_cast %broadcast_in_dim3A_121 : vector<16x1xi32> to vector<16xi32>
      %gather3A_123 = tpu.dynamic_gather %get3A_108[%gather3A_122] in [0] : vector<16xf32>, vector<16xi32> -> vector<16xf32>
      %mul3A_124 = arith.mulf %gather3A_123, %get3A_113 : vector<16xf32>
      %add3A_125 = arith.addf %add3A_103, %mul3A_124 : vector<16xf32>
      %get3A_126 = arith.constant 2 : i32
      %get3A_127 = arith.index_cast %get3A_126 : i32 to index
      %get3A_128 = arith.index_cast %min3A_77 : i32 to index
      %get3A_129 = tpu.vector_load %arg9[%get3A_127, %get3A_128] {strides = array<i32>} : memref<64x128xf32, #tpu.memory_space<vmem>>, vector<1x16xf32>,
      %get3A_130 = vector.shape_cast %get3A_129 : vector<1x16xf32> to vector<16xf32>
      %get3A_131 = arith.constant 2 : i32
      %get3A_132 = arith.index_cast %get3A_131 : i32 to index
      %get3A_133 = arith.index_cast %min3A_79 : i32 to index
      %get3A_134 = tpu.vector_load %arg10[%get3A_132, %get3A_133] {strides = array<i32>} : memref<64x128xf32, #tpu.memory_space<vmem>>, vector<1x16xf32>,
      %get3A_135 = vector.shape_cast %get3A_134 : vector<1x16xf32> to vector<16xf32>
      %lt3A_136 = arith.constant 0 : i32
      %lt3A_137 = vector.broadcast %lt3A_136 : i32 to vector<16xi32>
      %lt3A_138 = arith.cmpi slt, %broadcast_in_dim3A, %lt3A_137 : vector<16xi32>
      %add3A_139 = arith.constant 16 : i32
      %add3A_140 = vector.broadcast %add3A_139 : i32 to vector<16xi32>
      %add3A_141 = arith.addi %broadcast_in_dim3A, %add3A_140 : vector<16xi32>
      %select_n3A_142 = arith.select %lt3A_138, %add3A_141, %broadcast_in_dim3A : vector<16xi1>, vector<16xi32>
      %broadcast_in_dim3A_143 = vector.shape_cast %select_n3A_142 : vector<16xi32> to vector<16x1xi32>
      %gather3A_144 = vector.shape_cast %broadcast_in_dim3A_143 : vector<16x1xi32> to vector<16xi32>
      %gather3A_145 = tpu.dynamic_gather %get3A_130[%gather3A_144] in [0] : vector<16xf32>, vector<16xi32> -> vector<16xf32>
      %mul3A_146 = arith.mulf %gather3A_145, %get3A_135 : vector<16xf32>
      %add3A_147 = arith.addf %add3A_125, %mul3A_146 : vector<16xf32>
      %get3A_148 = arith.constant 3 : i32
      %get3A_149 = arith.index_cast %get3A_148 : i32 to index
      %get3A_150 = arith.index_cast %min3A_77 : i32 to index
      %get3A_151 = tpu.vector_load %arg9[%get3A_149, %get3A_150] {strides = array<i32>} : memref<64x128xf32, #tpu.memory_space<vmem>>, vector<1x16xf32>,
      %get3A_152 = vector.shape_cast %get3A_151 : vector<1x16xf32> to vector<16xf32>
      %get3A_153 = arith.constant 3 : i32
      %get3A_154 = arith.index_cast %get3A_153 : i32 to index
      %get3A_155 = arith.index_cast %min3A_79 : i32 to index
      %get3A_156 = tpu.vector_load %arg10[%get3A_154, %get3A_155] {strides = array<i32>} : memref<64x128xf32, #tpu.memory_space<vmem>>, vector<1x16xf32>,
      %get3A_157 = vector.shape_cast %get3A_156 : vector<1x16xf32> to vector<16xf32>
      %lt3A_158 = arith.constant 0 : i32
      %lt3A_159 = vector.broadcast %lt3A_158 : i32 to vector<16xi32>
      %lt3A_160 = arith.cmpi slt, %broadcast_in_dim3A, %lt3A_159 : vector<16xi32>
      %add3A_161 = arith.constant 16 : i32
      %add3A_162 = vector.broadcast %add3A_161 : i32 to vector<16xi32>
      %add3A_163 = arith.addi %broadcast_in_dim3A, %add3A_162 : vector<16xi32>
      %select_n3A_164 = arith.select %lt3A_160, %add3A_163, %broadcast_in_dim3A : vector<16xi1>, vector<16xi32>
      %broadcast_in_dim3A_165 = vector.shape_cast %select_n3A_164 : vector<16xi32> to vector<16x1xi32>
      %gather3A_166 = vector.shape_cast %broadcast_in_dim3A_165 : vector<16x1xi32> to vector<16xi32>
      %gather3A_167 = tpu.dynamic_gather %get3A_152[%gather3A_166] in [0] : vector<16xf32>, vector<16xi32> -> vector<16xf32>
      %mul3A_168 = arith.mulf %gather3A_167, %get3A_157 : vector<16xf32>
      %add3A_169 = arith.addf %add3A_147, %mul3A_168 : vector<16xf32>
      %get3A_170 = arith.constant 4 : i32
      %get3A_171 = arith.index_cast %get3A_170 : i32 to index
      %get3A_172 = arith.index_cast %min3A_77 : i32 to index
      %get3A_173 = tpu.vector_load %arg9[%get3A_171, %get3A_172] {strides = array<i32>} : memref<64x128xf32, #tpu.memory_space<vmem>>, vector<1x16xf32>,
      %get3A_174 = vector.shape_cast %get3A_173 : vector<1x16xf32> to vector<16xf32>
      %get3A_175 = arith.constant 4 : i32
      %get3A_176 = arith.index_cast %get3A_175 : i32 to index
      %get3A_177 = arith.index_cast %min3A_79 : i32 to index
      %get3A_178 = tpu.vector_load %arg10[%get3A_176, %get3A_177] {strides = array<i32>} : memref<64x128xf32, #tpu.memory_space<vmem>>, vector<1x16xf32>,
      %get3A_179 = vector.shape_cast %get3A_178 : vector<1x16xf32> to vector<16xf32>
      %lt3A_180 = arith.constant 0 : i32
      %lt3A_181 = vector.broadcast %lt3A_180 : i32 to vector<16xi32>
      %lt3A_182 = arith.cmpi slt, %broadcast_in_dim3A, %lt3A_181 : vector<16xi32>
      %add3A_183 = arith.constant 16 : i32
      %add3A_184 = vector.broadcast %add3A_183 : i32 to vector<16xi32>
      %add3A_185 = arith.addi %broadcast_in_dim3A, %add3A_184 : vector<16xi32>
      %select_n3A_186 = arith.select %lt3A_182, %add3A_185, %broadcast_in_dim3A : vector<16xi1>, vector<16xi32>
      %broadcast_in_dim3A_187 = vector.shape_cast %select_n3A_186 : vector<16xi32> to vector<16x1xi32>
      %gather3A_188 = vector.shape_cast %broadcast_in_dim3A_187 : vector<16x1xi32> to vector<16xi32>
      %gather3A_189 = tpu.dynamic_gather %get3A_174[%gather3A_188] in [0] : vector<16xf32>, vector<16xi32> -> vector<16xf32>
      %mul3A_190 = arith.mulf %gather3A_189, %get3A_179 : vector<16xf32>
      %add3A_191 = arith.addf %add3A_169, %mul3A_190 : vector<16xf32>
      %get3A_192 = arith.constant 5 : i32
      %get3A_193 = arith.index_cast %get3A_192 : i32 to index
      %get3A_194 = arith.index_cast %min3A_77 : i32 to index
      %get3A_195 = tpu.vector_load %arg9[%get3A_193, %get3A_194] {strides = array<i32>} : memref<64x128xf32, #tpu.memory_space<vmem>>, vector<1x16xf32>,
      %get3A_196 = vector.shape_cast %get3A_195 : vector<1x16xf32> to vector<16xf32>
      %get3A_197 = arith.constant 5 : i32
      %get3A_198 = arith.index_cast %get3A_197 : i32 to index
      %get3A_199 = arith.index_cast %min3A_79 : i32 to index
      %get3A_200 = tpu.vector_load %arg10[%get3A_198, %get3A_199] {strides = array<i32>} : memref<64x128xf32, #tpu.memory_space<vmem>>, vector<1x16xf32>,
      %get3A_201 = vector.shape_cast %get3A_200 : vector<1x16xf32> to vector<16xf32>
      %lt3A_202 = arith.constant 0 : i32
      %lt3A_203 = vector.broadcast %lt3A_202 : i32 to vector<16xi32>
      %lt3A_204 = arith.cmpi slt, %broadcast_in_dim3A, %lt3A_203 : vector<16xi32>
      %add3A_205 = arith.constant 16 : i32
      %add3A_206 = vector.broadcast %add3A_205 : i32 to vector<16xi32>
      %add3A_207 = arith.addi %broadcast_in_dim3A, %add3A_206 : vector<16xi32>
      %select_n3A_208 = arith.select %lt3A_204, %add3A_207, %broadcast_in_dim3A : vector<16xi1>, vector<16xi32>
      %broadcast_in_dim3A_209 = vector.shape_cast %select_n3A_208 : vector<16xi32> to vector<16x1xi32>
      %gather3A_210 = vector.shape_cast %broadcast_in_dim3A_209 : vector<16x1xi32> to vector<16xi32>
      %gather3A_211 = tpu.dynamic_gather %get3A_196[%gather3A_210] in [0] : vector<16xf32>, vector<16xi32> -> vector<16xf32>
      %mul3A_212 = arith.mulf %gather3A_211, %get3A_201 : vector<16xf32>
      %add3A_213 = arith.addf %add3A_191, %mul3A_212 : vector<16xf32>
      %get3A_214 = arith.constant 6 : i32
      %get3A_215 = arith.index_cast %get3A_214 : i32 to index
      %get3A_216 = arith.index_cast %min3A_77 : i32 to index
      %get3A_217 = tpu.vector_load %arg9[%get3A_215, %get3A_216] {strides = array<i32>} : memref<64x128xf32, #tpu.memory_space<vmem>>, vector<1x16xf32>,
      %get3A_218 = vector.shape_cast %get3A_217 : vector<1x16xf32> to vector<16xf32>
      %get3A_219 = arith.constant 6 : i32
      %get3A_220 = arith.index_cast %get3A_219 : i32 to index
      %get3A_221 = arith.index_cast %min3A_79 : i32 to index
      %get3A_222 = tpu.vector_load %arg10[%get3A_220, %get3A_221] {strides = array<i32>} : memref<64x128xf32, #tpu.memory_space<vmem>>, vector<1x16xf32>,
      %get3A_223 = vector.shape_cast %get3A_222 : vector<1x16xf32> to vector<16xf32>
      %lt3A_224 = arith.constant 0 : i32
      %lt3A_225 = vector.broadcast %lt3A_224 : i32 to vector<16xi32>
      %lt3A_226 = arith.cmpi slt, %broadcast_in_dim3A, %lt3A_225 : vector<16xi32>
      %add3A_227 = arith.constant 16 : i32
      %add3A_228 = vector.broadcast %add3A_227 : i32 to vector<16xi32>
      %add3A_229 = arith.addi %broadcast_in_dim3A, %add3A_228 : vector<16xi32>
      %select_n3A_230 = arith.select %lt3A_226, %add3A_229, %broadcast_in_dim3A : vector<16xi1>, vector<16xi32>
      %broadcast_in_dim3A_231 = vector.shape_cast %select_n3A_230 : vector<16xi32> to vector<16x1xi32>
      %gather3A_232 = vector.shape_cast %broadcast_in_dim3A_231 : vector<16x1xi32> to vector<16xi32>
      %gather3A_233 = tpu.dynamic_gather %get3A_218[%gather3A_232] in [0] : vector<16xf32>, vector<16xi32> -> vector<16xf32>
      %mul3A_234 = arith.mulf %gather3A_233, %get3A_223 : vector<16xf32>
      %add3A_235 = arith.addf %add3A_213, %mul3A_234 : vector<16xf32>
      %get3A_236 = arith.constant 7 : i32
      %get3A_237 = arith.index_cast %get3A_236 : i32 to index
      %get3A_238 = arith.index_cast %min3A_77 : i32 to index
      %get3A_239 = tpu.vector_load %arg9[%get3A_237, %get3A_238] {strides = array<i32>} : memref<64x128xf32, #tpu.memory_space<vmem>>, vector<1x16xf32>,
      %get3A_240 = vector.shape_cast %get3A_239 : vector<1x16xf32> to vector<16xf32>
      %get3A_241 = arith.constant 7 : i32
      %get3A_242 = arith.index_cast %get3A_241 : i32 to index
      %get3A_243 = arith.index_cast %min3A_79 : i32 to index
      %get3A_244 = tpu.vector_load %arg10[%get3A_242, %get3A_243] {strides = array<i32>} : memref<64x128xf32, #tpu.memory_space<vmem>>, vector<1x16xf32>,
      %get3A_245 = vector.shape_cast %get3A_244 : vector<1x16xf32> to vector<16xf32>
      %lt3A_246 = arith.constant 0 : i32
      %lt3A_247 = vector.broadcast %lt3A_246 : i32 to vector<16xi32>
      %lt3A_248 = arith.cmpi slt, %broadcast_in_dim3A, %lt3A_247 : vector<16xi32>
      %add3A_249 = arith.constant 16 : i32
      %add3A_250 = vector.broadcast %add3A_249 : i32 to vector<16xi32>
      %add3A_251 = arith.addi %broadcast_in_dim3A, %add3A_250 : vector<16xi32>
      %select_n3A_252 = arith.select %lt3A_248, %add3A_251, %broadcast_in_dim3A : vector<16xi1>, vector<16xi32>
      %broadcast_in_dim3A_253 = vector.shape_cast %select_n3A_252 : vector<16xi32> to vector<16x1xi32>
      %gather3A_254 = vector.shape_cast %broadcast_in_dim3A_253 : vector<16x1xi32> to vector<16xi32>
      %gather3A_255 = tpu.dynamic_gather %get3A_240[%gather3A_254] in [0] : vector<16xf32>, vector<16xi32> -> vector<16xf32>
      %mul3A_256 = arith.mulf %gather3A_255, %get3A_245 : vector<16xf32>
      %add3A_257 = arith.addf %add3A_235, %mul3A_256 : vector<16xf32>
      %get3A_258 = arith.constant 8 : i32
      %get3A_259 = arith.index_cast %get3A_258 : i32 to index
      %get3A_260 = arith.index_cast %min3A_77 : i32 to index
      %get3A_261 = tpu.vector_load %arg9[%get3A_259, %get3A_260] {strides = array<i32>} : memref<64x128xf32, #tpu.memory_space<vmem>>, vector<1x16xf32>,
      %get3A_262 = vector.shape_cast %get3A_261 : vector<1x16xf32> to vector<16xf32>
      %get3A_263 = arith.constant 8 : i32
      %get3A_264 = arith.index_cast %get3A_263 : i32 to index
      %get3A_265 = arith.index_cast %min3A_79 : i32 to index
      %get3A_266 = tpu.vector_load %arg10[%get3A_264, %get3A_265] {strides = array<i32>} : memref<64x128xf32, #tpu.memory_space<vmem>>, vector<1x16xf32>,
      %get3A_267 = vector.shape_cast %get3A_266 : vector<1x16xf32> to vector<16xf32>
      %lt3A_268 = arith.constant 0 : i32
      %lt3A_269 = vector.broadcast %lt3A_268 : i32 to vector<16xi32>
      %lt3A_270 = arith.cmpi slt, %broadcast_in_dim3A, %lt3A_269 : vector<16xi32>
      %add3A_271 = arith.constant 16 : i32
      %add3A_272 = vector.broadcast %add3A_271 : i32 to vector<16xi32>
      %add3A_273 = arith.addi %broadcast_in_dim3A, %add3A_272 : vector<16xi32>
      %select_n3A_274 = arith.select %lt3A_270, %add3A_273, %broadcast_in_dim3A : vector<16xi1>, vector<16xi32>
      %broadcast_in_dim3A_275 = vector.shape_cast %select_n3A_274 : vector<16xi32> to vector<16x1xi32>
      %gather3A_276 = vector.shape_cast %broadcast_in_dim3A_275 : vector<16x1xi32> to vector<16xi32>
      %gather3A_277 = tpu.dynamic_gather %get3A_262[%gather3A_276] in [0] : vector<16xf32>, vector<16xi32> -> vector<16xf32>
      %mul3A_278 = arith.mulf %gather3A_277, %get3A_267 : vector<16xf32>
      %add3A_279 = arith.addf %add3A_257, %mul3A_278 : vector<16xf32>
      %get3A_280 = arith.constant 9 : i32
      %get3A_281 = arith.index_cast %get3A_280 : i32 to index
      %get3A_282 = arith.index_cast %min3A_77 : i32 to index
      %get3A_283 = tpu.vector_load %arg9[%get3A_281, %get3A_282] {strides = array<i32>} : memref<64x128xf32, #tpu.memory_space<vmem>>, vector<1x16xf32>,
      %get3A_284 = vector.shape_cast %get3A_283 : vector<1x16xf32> to vector<16xf32>
      %get3A_285 = arith.constant 9 : i32
      %get3A_286 = arith.index_cast %get3A_285 : i32 to index
      %get3A_287 = arith.index_cast %min3A_79 : i32 to index
      %get3A_288 = tpu.vector_load %arg10[%get3A_286, %get3A_287] {strides = array<i32>} : memref<64x128xf32, #tpu.memory_space<vmem>>, vector<1x16xf32>,
      %get3A_289 = vector.shape_cast %get3A_288 : vector<1x16xf32> to vector<16xf32>
      %lt3A_290 = arith.constant 0 : i32
      %lt3A_291 = vector.broadcast %lt3A_290 : i32 to vector<16xi32>
      %lt3A_292 = arith.cmpi slt, %broadcast_in_dim3A, %lt3A_291 : vector<16xi32>
      %add3A_293 = arith.constant 16 : i32
      %add3A_294 = vector.broadcast %add3A_293 : i32 to vector<16xi32>
      %add3A_295 = arith.addi %broadcast_in_dim3A, %add3A_294 : vector<16xi32>
      %select_n3A_296 = arith.select %lt3A_292, %add3A_295, %broadcast_in_dim3A : vector<16xi1>, vector<16xi32>
      %broadcast_in_dim3A_297 = vector.shape_cast %select_n3A_296 : vector<16xi32> to vector<16x1xi32>
      %gather3A_298 = vector.shape_cast %broadcast_in_dim3A_297 : vector<16x1xi32> to vector<16xi32>
      %gather3A_299 = tpu.dynamic_gather %get3A_284[%gather3A_298] in [0] : vector<16xf32>, vector<16xi32> -> vector<16xf32>
      %mul3A_300 = arith.mulf %gather3A_299, %get3A_289 : vector<16xf32>
      %add3A_301 = arith.addf %add3A_279, %mul3A_300 : vector<16xf32>
      %get3A_302 = arith.constant 10 : i32
      %get3A_303 = arith.index_cast %get3A_302 : i32 to index
      %get3A_304 = arith.index_cast %min3A_77 : i32 to index
      %get3A_305 = tpu.vector_load %arg9[%get3A_303, %get3A_304] {strides = array<i32>} : memref<64x128xf32, #tpu.memory_space<vmem>>, vector<1x16xf32>,
      %get3A_306 = vector.shape_cast %get3A_305 : vector<1x16xf32> to vector<16xf32>
      %get3A_307 = arith.constant 10 : i32
      %get3A_308 = arith.index_cast %get3A_307 : i32 to index
      %get3A_309 = arith.index_cast %min3A_79 : i32 to index
      %get3A_310 = tpu.vector_load %arg10[%get3A_308, %get3A_309] {strides = array<i32>} : memref<64x128xf32, #tpu.memory_space<vmem>>, vector<1x16xf32>,
      %get3A_311 = vector.shape_cast %get3A_310 : vector<1x16xf32> to vector<16xf32>
      %lt3A_312 = arith.constant 0 : i32
      %lt3A_313 = vector.broadcast %lt3A_312 : i32 to vector<16xi32>
      %lt3A_314 = arith.cmpi slt, %broadcast_in_dim3A, %lt3A_313 : vector<16xi32>
      %add3A_315 = arith.constant 16 : i32
      %add3A_316 = vector.broadcast %add3A_315 : i32 to vector<16xi32>
      %add3A_317 = arith.addi %broadcast_in_dim3A, %add3A_316 : vector<16xi32>
      %select_n3A_318 = arith.select %lt3A_314, %add3A_317, %broadcast_in_dim3A : vector<16xi1>, vector<16xi32>
      %broadcast_in_dim3A_319 = vector.shape_cast %select_n3A_318 : vector<16xi32> to vector<16x1xi32>
      %gather3A_320 = vector.shape_cast %broadcast_in_dim3A_319 : vector<16x1xi32> to vector<16xi32>
      %gather3A_321 = tpu.dynamic_gather %get3A_306[%gather3A_320] in [0] : vector<16xf32>, vector<16xi32> -> vector<16xf32>
      %mul3A_322 = arith.mulf %gather3A_321, %get3A_311 : vector<16xf32>
      %add3A_323 = arith.addf %add3A_301, %mul3A_322 : vector<16xf32>
      %get3A_324 = arith.constant 11 : i32
      %get3A_325 = arith.index_cast %get3A_324 : i32 to index
      %get3A_326 = arith.index_cast %min3A_77 : i32 to index
      %get3A_327 = tpu.vector_load %arg9[%get3A_325, %get3A_326] {strides = array<i32>} : memref<64x128xf32, #tpu.memory_space<vmem>>, vector<1x16xf32>,
      %get3A_328 = vector.shape_cast %get3A_327 : vector<1x16xf32> to vector<16xf32>
      %get3A_329 = arith.constant 11 : i32
      %get3A_330 = arith.index_cast %get3A_329 : i32 to index
      %get3A_331 = arith.index_cast %min3A_79 : i32 to index
      %get3A_332 = tpu.vector_load %arg10[%get3A_330, %get3A_331] {strides = array<i32>} : memref<64x128xf32, #tpu.memory_space<vmem>>, vector<1x16xf32>,
      %get3A_333 = vector.shape_cast %get3A_332 : vector<1x16xf32> to vector<16xf32>
      %lt3A_334 = arith.constant 0 : i32
      %lt3A_335 = vector.broadcast %lt3A_334 : i32 to vector<16xi32>
      %lt3A_336 = arith.cmpi slt, %broadcast_in_dim3A, %lt3A_335 : vector<16xi32>
      %add3A_337 = arith.constant 16 : i32
      %add3A_338 = vector.broadcast %add3A_337 : i32 to vector<16xi32>
      %add3A_339 = arith.addi %broadcast_in_dim3A, %add3A_338 : vector<16xi32>
      %select_n3A_340 = arith.select %lt3A_336, %add3A_339, %broadcast_in_dim3A : vector<16xi1>, vector<16xi32>
      %broadcast_in_dim3A_341 = vector.shape_cast %select_n3A_340 : vector<16xi32> to vector<16x1xi32>
      %gather3A_342 = vector.shape_cast %broadcast_in_dim3A_341 : vector<16x1xi32> to vector<16xi32>
      %gather3A_343 = tpu.dynamic_gather %get3A_328[%gather3A_342] in [0] : vector<16xf32>, vector<16xi32> -> vector<16xf32>
      %mul3A_344 = arith.mulf %gather3A_343, %get3A_333 : vector<16xf32>
      %add3A_345 = arith.addf %add3A_323, %mul3A_344 : vector<16xf32>
      %get3A_346 = arith.constant 12 : i32
      %get3A_347 = arith.index_cast %get3A_346 : i32 to index
      %get3A_348 = arith.index_cast %min3A_77 : i32 to index
      %get3A_349 = tpu.vector_load %arg9[%get3A_347, %get3A_348] {strides = array<i32>} : memref<64x128xf32, #tpu.memory_space<vmem>>, vector<1x16xf32>,
      %get3A_350 = vector.shape_cast %get3A_349 : vector<1x16xf32> to vector<16xf32>
      %get3A_351 = arith.constant 12 : i32
      %get3A_352 = arith.index_cast %get3A_351 : i32 to index
      %get3A_353 = arith.index_cast %min3A_79 : i32 to index
      %get3A_354 = tpu.vector_load %arg10[%get3A_352, %get3A_353] {strides = array<i32>} : memref<64x128xf32, #tpu.memory_space<vmem>>, vector<1x16xf32>,
      %get3A_355 = vector.shape_cast %get3A_354 : vector<1x16xf32> to vector<16xf32>
      %lt3A_356 = arith.constant 0 : i32
      %lt3A_357 = vector.broadcast %lt3A_356 : i32 to vector<16xi32>
      %lt3A_358 = arith.cmpi slt, %broadcast_in_dim3A, %lt3A_357 : vector<16xi32>
      %add3A_359 = arith.constant 16 : i32
      %add3A_360 = vector.broadcast %add3A_359 : i32 to vector<16xi32>
      %add3A_361 = arith.addi %broadcast_in_dim3A, %add3A_360 : vector<16xi32>
      %select_n3A_362 = arith.select %lt3A_358, %add3A_361, %broadcast_in_dim3A : vector<16xi1>, vector<16xi32>
      %broadcast_in_dim3A_363 = vector.shape_cast %select_n3A_362 : vector<16xi32> to vector<16x1xi32>
      %gather3A_364 = vector.shape_cast %broadcast_in_dim3A_363 : vector<16x1xi32> to vector<16xi32>
      %gather3A_365 = tpu.dynamic_gather %get3A_350[%gather3A_364] in [0] : vector<16xf32>, vector<16xi32> -> vector<16xf32>
      %mul3A_366 = arith.mulf %gather3A_365, %get3A_355 : vector<16xf32>
      %add3A_367 = arith.addf %add3A_345, %mul3A_366 : vector<16xf32>
      %get3A_368 = arith.constant 13 : i32
      %get3A_369 = arith.index_cast %get3A_368 : i32 to index
      %get3A_370 = arith.index_cast %min3A_77 : i32 to index
      %get3A_371 = tpu.vector_load %arg9[%get3A_369, %get3A_370] {strides = array<i32>} : memref<64x128xf32, #tpu.memory_space<vmem>>, vector<1x16xf32>,
      %get3A_372 = vector.shape_cast %get3A_371 : vector<1x16xf32> to vector<16xf32>
      %get3A_373 = arith.constant 13 : i32
      %get3A_374 = arith.index_cast %get3A_373 : i32 to index
      %get3A_375 = arith.index_cast %min3A_79 : i32 to index
      %get3A_376 = tpu.vector_load %arg10[%get3A_374, %get3A_375] {strides = array<i32>} : memref<64x128xf32, #tpu.memory_space<vmem>>, vector<1x16xf32>,
      %get3A_377 = vector.shape_cast %get3A_376 : vector<1x16xf32> to vector<16xf32>
      %lt3A_378 = arith.constant 0 : i32
      %lt3A_379 = vector.broadcast %lt3A_378 : i32 to vector<16xi32>
      %lt3A_380 = arith.cmpi slt, %broadcast_in_dim3A, %lt3A_379 : vector<16xi32>
      %add3A_381 = arith.constant 16 : i32
      %add3A_382 = vector.broadcast %add3A_381 : i32 to vector<16xi32>
      %add3A_383 = arith.addi %broadcast_in_dim3A, %add3A_382 : vector<16xi32>
      %select_n3A_384 = arith.select %lt3A_380, %add3A_383, %broadcast_in_dim3A : vector<16xi1>, vector<16xi32>
      %broadcast_in_dim3A_385 = vector.shape_cast %select_n3A_384 : vector<16xi32> to vector<16x1xi32>
      %gather3A_386 = vector.shape_cast %broadcast_in_dim3A_385 : vector<16x1xi32> to vector<16xi32>
      %gather3A_387 = tpu.dynamic_gather %get3A_372[%gather3A_386] in [0] : vector<16xf32>, vector<16xi32> -> vector<16xf32>
      %mul3A_388 = arith.mulf %gather3A_387, %get3A_377 : vector<16xf32>
      %add3A_389 = arith.addf %add3A_367, %mul3A_388 : vector<16xf32>
      %get3A_390 = arith.constant 14 : i32
      %get3A_391 = arith.index_cast %get3A_390 : i32 to index
      %get3A_392 = arith.index_cast %min3A_77 : i32 to index
      %get3A_393 = tpu.vector_load %arg9[%get3A_391, %get3A_392] {strides = array<i32>} : memref<64x128xf32, #tpu.memory_space<vmem>>, vector<1x16xf32>,
      %get3A_394 = vector.shape_cast %get3A_393 : vector<1x16xf32> to vector<16xf32>
      %get3A_395 = arith.constant 14 : i32
      %get3A_396 = arith.index_cast %get3A_395 : i32 to index
      %get3A_397 = arith.index_cast %min3A_79 : i32 to index
      %get3A_398 = tpu.vector_load %arg10[%get3A_396, %get3A_397] {strides = array<i32>} : memref<64x128xf32, #tpu.memory_space<vmem>>, vector<1x16xf32>,
      %get3A_399 = vector.shape_cast %get3A_398 : vector<1x16xf32> to vector<16xf32>
      %lt3A_400 = arith.constant 0 : i32
      %lt3A_401 = vector.broadcast %lt3A_400 : i32 to vector<16xi32>
      %lt3A_402 = arith.cmpi slt, %broadcast_in_dim3A, %lt3A_401 : vector<16xi32>
      %add3A_403 = arith.constant 16 : i32
      %add3A_404 = vector.broadcast %add3A_403 : i32 to vector<16xi32>
      %add3A_405 = arith.addi %broadcast_in_dim3A, %add3A_404 : vector<16xi32>
      %select_n3A_406 = arith.select %lt3A_402, %add3A_405, %broadcast_in_dim3A : vector<16xi1>, vector<16xi32>
      %broadcast_in_dim3A_407 = vector.shape_cast %select_n3A_406 : vector<16xi32> to vector<16x1xi32>
      %gather3A_408 = vector.shape_cast %broadcast_in_dim3A_407 : vector<16x1xi32> to vector<16xi32>
      %gather3A_409 = tpu.dynamic_gather %get3A_394[%gather3A_408] in [0] : vector<16xf32>, vector<16xi32> -> vector<16xf32>
      %mul3A_410 = arith.mulf %gather3A_409, %get3A_399 : vector<16xf32>
      %add3A_411 = arith.addf %add3A_389, %mul3A_410 : vector<16xf32>
      %get3A_412 = arith.constant 15 : i32
      %get3A_413 = arith.index_cast %get3A_412 : i32 to index
      %get3A_414 = arith.index_cast %min3A_77 : i32 to index
      %get3A_415 = tpu.vector_load %arg9[%get3A_413, %get3A_414] {strides = array<i32>} : memref<64x128xf32, #tpu.memory_space<vmem>>, vector<1x16xf32>,
      %get3A_416 = vector.shape_cast %get3A_415 : vector<1x16xf32> to vector<16xf32>
      %get3A_417 = arith.constant 15 : i32
      %get3A_418 = arith.index_cast %get3A_417 : i32 to index
      %get3A_419 = arith.index_cast %min3A_79 : i32 to index
      %get3A_420 = tpu.vector_load %arg10[%get3A_418, %get3A_419] {strides = array<i32>} : memref<64x128xf32, #tpu.memory_space<vmem>>, vector<1x16xf32>,
      %get3A_421 = vector.shape_cast %get3A_420 : vector<1x16xf32> to vector<16xf32>
      %lt3A_422 = arith.constant 0 : i32
      %lt3A_423 = vector.broadcast %lt3A_422 : i32 to vector<16xi32>
      %lt3A_424 = arith.cmpi slt, %broadcast_in_dim3A, %lt3A_423 : vector<16xi32>
      %add3A_425 = arith.constant 16 : i32
      %add3A_426 = vector.broadcast %add3A_425 : i32 to vector<16xi32>
      %add3A_427 = arith.addi %broadcast_in_dim3A, %add3A_426 : vector<16xi32>
      %select_n3A_428 = arith.select %lt3A_424, %add3A_427, %broadcast_in_dim3A : vector<16xi1>, vector<16xi32>
      %broadcast_in_dim3A_429 = vector.shape_cast %select_n3A_428 : vector<16xi32> to vector<16x1xi32>
      %gather3A_430 = vector.shape_cast %broadcast_in_dim3A_429 : vector<16x1xi32> to vector<16xi32>
      %gather3A_431 = tpu.dynamic_gather %get3A_416[%gather3A_430] in [0] : vector<16xf32>, vector<16xi32> -> vector<16xf32>
      %mul3A_432 = arith.mulf %gather3A_431, %get3A_421 : vector<16xf32>
      %add3A_433 = arith.addf %add3A_411, %mul3A_432 : vector<16xf32>
      %get3A_434 = arith.constant 16 : i32
      %get3A_435 = arith.index_cast %get3A_434 : i32 to index
      %get3A_436 = arith.index_cast %min3A_77 : i32 to index
      %get3A_437 = tpu.vector_load %arg9[%get3A_435, %get3A_436] {strides = array<i32>} : memref<64x128xf32, #tpu.memory_space<vmem>>, vector<1x16xf32>,
      %get3A_438 = vector.shape_cast %get3A_437 : vector<1x16xf32> to vector<16xf32>
      %get3A_439 = arith.constant 16 : i32
      %get3A_440 = arith.index_cast %get3A_439 : i32 to index
      %get3A_441 = arith.index_cast %min3A_79 : i32 to index
      %get3A_442 = tpu.vector_load %arg10[%get3A_440, %get3A_441] {strides = array<i32>} : memref<64x128xf32, #tpu.memory_space<vmem>>, vector<1x16xf32>,
      %get3A_443 = vector.shape_cast %get3A_442 : vector<1x16xf32> to vector<16xf32>
      %lt3A_444 = arith.constant 0 : i32
      %lt3A_445 = vector.broadcast %lt3A_444 : i32 to vector<16xi32>
      %lt3A_446 = arith.cmpi slt, %broadcast_in_dim3A, %lt3A_445 : vector<16xi32>
      %add3A_447 = arith.constant 16 : i32
      %add3A_448 = vector.broadcast %add3A_447 : i32 to vector<16xi32>
      %add3A_449 = arith.addi %broadcast_in_dim3A, %add3A_448 : vector<16xi32>
      %select_n3A_450 = arith.select %lt3A_446, %add3A_449, %broadcast_in_dim3A : vector<16xi1>, vector<16xi32>
      %broadcast_in_dim3A_451 = vector.shape_cast %select_n3A_450 : vector<16xi32> to vector<16x1xi32>
      %gather3A_452 = vector.shape_cast %broadcast_in_dim3A_451 : vector<16x1xi32> to vector<16xi32>
      %gather3A_453 = tpu.dynamic_gather %get3A_438[%gather3A_452] in [0] : vector<16xf32>, vector<16xi32> -> vector<16xf32>
      %mul3A_454 = arith.mulf %gather3A_453, %get3A_443 : vector<16xf32>
      %add3A_455 = arith.addf %add3A_433, %mul3A_454 : vector<16xf32>
      %get3A_456 = arith.constant 17 : i32
      %get3A_457 = arith.index_cast %get3A_456 : i32 to index
      %get3A_458 = arith.index_cast %min3A_77 : i32 to index
      %get3A_459 = tpu.vector_load %arg9[%get3A_457, %get3A_458] {strides = array<i32>} : memref<64x128xf32, #tpu.memory_space<vmem>>, vector<1x16xf32>,
      %get3A_460 = vector.shape_cast %get3A_459 : vector<1x16xf32> to vector<16xf32>
      %get3A_461 = arith.constant 17 : i32
      %get3A_462 = arith.index_cast %get3A_461 : i32 to index
      %get3A_463 = arith.index_cast %min3A_79 : i32 to index
      %get3A_464 = tpu.vector_load %arg10[%get3A_462, %get3A_463] {strides = array<i32>} : memref<64x128xf32, #tpu.memory_space<vmem>>, vector<1x16xf32>,
      %get3A_465 = vector.shape_cast %get3A_464 : vector<1x16xf32> to vector<16xf32>
      %lt3A_466 = arith.constant 0 : i32
      %lt3A_467 = vector.broadcast %lt3A_466 : i32 to vector<16xi32>
      %lt3A_468 = arith.cmpi slt, %broadcast_in_dim3A, %lt3A_467 : vector<16xi32>
      %add3A_469 = arith.constant 16 : i32
      %add3A_470 = vector.broadcast %add3A_469 : i32 to vector<16xi32>
      %add3A_471 = arith.addi %broadcast_in_dim3A, %add3A_470 : vector<16xi32>
      %select_n3A_472 = arith.select %lt3A_468, %add3A_471, %broadcast_in_dim3A : vector<16xi1>, vector<16xi32>
      %broadcast_in_dim3A_473 = vector.shape_cast %select_n3A_472 : vector<16xi32> to vector<16x1xi32>
      %gather3A_474 = vector.shape_cast %broadcast_in_dim3A_473 : vector<16x1xi32> to vector<16xi32>
      %gather3A_475 = tpu.dynamic_gather %get3A_460[%gather3A_474] in [0] : vector<16xf32>, vector<16xi32> -> vector<16xf32>
      %mul3A_476 = arith.mulf %gather3A_475, %get3A_465 : vector<16xf32>
      %add3A_477 = arith.addf %add3A_455, %mul3A_476 : vector<16xf32>
      %get3A_478 = arith.constant 18 : i32
      %get3A_479 = arith.index_cast %get3A_478 : i32 to index
      %get3A_480 = arith.index_cast %min3A_77 : i32 to index
      %get3A_481 = tpu.vector_load %arg9[%get3A_479, %get3A_480] {strides = array<i32>} : memref<64x128xf32, #tpu.memory_space<vmem>>, vector<1x16xf32>,
      %get3A_482 = vector.shape_cast %get3A_481 : vector<1x16xf32> to vector<16xf32>
      %get3A_483 = arith.constant 18 : i32
      %get3A_484 = arith.index_cast %get3A_483 : i32 to index
      %get3A_485 = arith.index_cast %min3A_79 : i32 to index
      %get3A_486 = tpu.vector_load %arg10[%get3A_484, %get3A_485] {strides = array<i32>} : memref<64x128xf32, #tpu.memory_space<vmem>>, vector<1x16xf32>,
      %get3A_487 = vector.shape_cast %get3A_486 : vector<1x16xf32> to vector<16xf32>
      %lt3A_488 = arith.constant 0 : i32
      %lt3A_489 = vector.broadcast %lt3A_488 : i32 to vector<16xi32>
      %lt3A_490 = arith.cmpi slt, %broadcast_in_dim3A, %lt3A_489 : vector<16xi32>
      %add3A_491 = arith.constant 16 : i32
      %add3A_492 = vector.broadcast %add3A_491 : i32 to vector<16xi32>
      %add3A_493 = arith.addi %broadcast_in_dim3A, %add3A_492 : vector<16xi32>
      %select_n3A_494 = arith.select %lt3A_490, %add3A_493, %broadcast_in_dim3A : vector<16xi1>, vector<16xi32>
      %broadcast_in_dim3A_495 = vector.shape_cast %select_n3A_494 : vector<16xi32> to vector<16x1xi32>
      %gather3A_496 = vector.shape_cast %broadcast_in_dim3A_495 : vector<16x1xi32> to vector<16xi32>
      %gather3A_497 = tpu.dynamic_gather %get3A_482[%gather3A_496] in [0] : vector<16xf32>, vector<16xi32> -> vector<16xf32>
      %mul3A_498 = arith.mulf %gather3A_497, %get3A_487 : vector<16xf32>
      %add3A_499 = arith.addf %add3A_477, %mul3A_498 : vector<16xf32>
      %get3A_500 = arith.constant 19 : i32
      %get3A_501 = arith.index_cast %get3A_500 : i32 to index
      %get3A_502 = arith.index_cast %min3A_77 : i32 to index
      %get3A_503 = tpu.vector_load %arg9[%get3A_501, %get3A_502] {strides = array<i32>} : memref<64x128xf32, #tpu.memory_space<vmem>>, vector<1x16xf32>,
      %get3A_504 = vector.shape_cast %get3A_503 : vector<1x16xf32> to vector<16xf32>
      %get3A_505 = arith.constant 19 : i32
      %get3A_506 = arith.index_cast %get3A_505 : i32 to index
      %get3A_507 = arith.index_cast %min3A_79 : i32 to index
      %get3A_508 = tpu.vector_load %arg10[%get3A_506, %get3A_507] {strides = array<i32>} : memref<64x128xf32, #tpu.memory_space<vmem>>, vector<1x16xf32>,
      %get3A_509 = vector.shape_cast %get3A_508 : vector<1x16xf32> to vector<16xf32>
      %lt3A_510 = arith.constant 0 : i32
      %lt3A_511 = vector.broadcast %lt3A_510 : i32 to vector<16xi32>
      %lt3A_512 = arith.cmpi slt, %broadcast_in_dim3A, %lt3A_511 : vector<16xi32>
      %add3A_513 = arith.constant 16 : i32
      %add3A_514 = vector.broadcast %add3A_513 : i32 to vector<16xi32>
      %add3A_515 = arith.addi %broadcast_in_dim3A, %add3A_514 : vector<16xi32>
      %select_n3A_516 = arith.select %lt3A_512, %add3A_515, %broadcast_in_dim3A : vector<16xi1>, vector<16xi32>
      %broadcast_in_dim3A_517 = vector.shape_cast %select_n3A_516 : vector<16xi32> to vector<16x1xi32>
      %gather3A_518 = vector.shape_cast %broadcast_in_dim3A_517 : vector<16x1xi32> to vector<16xi32>
      %gather3A_519 = tpu.dynamic_gather %get3A_504[%gather3A_518] in [0] : vector<16xf32>, vector<16xi32> -> vector<16xf32>
      %mul3A_520 = arith.mulf %gather3A_519, %get3A_509 : vector<16xf32>
      %add3A_521 = arith.addf %add3A_499, %mul3A_520 : vector<16xf32>
      %get3A_522 = arith.constant 20 : i32
      %get3A_523 = arith.index_cast %get3A_522 : i32 to index
      %get3A_524 = arith.index_cast %min3A_77 : i32 to index
      %get3A_525 = tpu.vector_load %arg9[%get3A_523, %get3A_524] {strides = array<i32>} : memref<64x128xf32, #tpu.memory_space<vmem>>, vector<1x16xf32>,
      %get3A_526 = vector.shape_cast %get3A_525 : vector<1x16xf32> to vector<16xf32>
      %get3A_527 = arith.constant 20 : i32
      %get3A_528 = arith.index_cast %get3A_527 : i32 to index
      %get3A_529 = arith.index_cast %min3A_79 : i32 to index
      %get3A_530 = tpu.vector_load %arg10[%get3A_528, %get3A_529] {strides = array<i32>} : memref<64x128xf32, #tpu.memory_space<vmem>>, vector<1x16xf32>,
      %get3A_531 = vector.shape_cast %get3A_530 : vector<1x16xf32> to vector<16xf32>
      %lt3A_532 = arith.constant 0 : i32
      %lt3A_533 = vector.broadcast %lt3A_532 : i32 to vector<16xi32>
      %lt3A_534 = arith.cmpi slt, %broadcast_in_dim3A, %lt3A_533 : vector<16xi32>
      %add3A_535 = arith.constant 16 : i32
      %add3A_536 = vector.broadcast %add3A_535 : i32 to vector<16xi32>
      %add3A_537 = arith.addi %broadcast_in_dim3A, %add3A_536 : vector<16xi32>
      %select_n3A_538 = arith.select %lt3A_534, %add3A_537, %broadcast_in_dim3A : vector<16xi1>, vector<16xi32>
      %broadcast_in_dim3A_539 = vector.shape_cast %select_n3A_538 : vector<16xi32> to vector<16x1xi32>
      %gather3A_540 = vector.shape_cast %broadcast_in_dim3A_539 : vector<16x1xi32> to vector<16xi32>
      %gather3A_541 = tpu.dynamic_gather %get3A_526[%gather3A_540] in [0] : vector<16xf32>, vector<16xi32> -> vector<16xf32>
      %mul3A_542 = arith.mulf %gather3A_541, %get3A_531 : vector<16xf32>
      %add3A_543 = arith.addf %add3A_521, %mul3A_542 : vector<16xf32>
      %get3A_544 = arith.constant 21 : i32
      %get3A_545 = arith.index_cast %get3A_544 : i32 to index
      %get3A_546 = arith.index_cast %min3A_77 : i32 to index
      %get3A_547 = tpu.vector_load %arg9[%get3A_545, %get3A_546] {strides = array<i32>} : memref<64x128xf32, #tpu.memory_space<vmem>>, vector<1x16xf32>,
      %get3A_548 = vector.shape_cast %get3A_547 : vector<1x16xf32> to vector<16xf32>
      %get3A_549 = arith.constant 21 : i32
      %get3A_550 = arith.index_cast %get3A_549 : i32 to index
      %get3A_551 = arith.index_cast %min3A_79 : i32 to index
      %get3A_552 = tpu.vector_load %arg10[%get3A_550, %get3A_551] {strides = array<i32>} : memref<64x128xf32, #tpu.memory_space<vmem>>, vector<1x16xf32>,
      %get3A_553 = vector.shape_cast %get3A_552 : vector<1x16xf32> to vector<16xf32>
      %lt3A_554 = arith.constant 0 : i32
      %lt3A_555 = vector.broadcast %lt3A_554 : i32 to vector<16xi32>
      %lt3A_556 = arith.cmpi slt, %broadcast_in_dim3A, %lt3A_555 : vector<16xi32>
      %add3A_557 = arith.constant 16 : i32
      %add3A_558 = vector.broadcast %add3A_557 : i32 to vector<16xi32>
      %add3A_559 = arith.addi %broadcast_in_dim3A, %add3A_558 : vector<16xi32>
      %select_n3A_560 = arith.select %lt3A_556, %add3A_559, %broadcast_in_dim3A : vector<16xi1>, vector<16xi32>
      %broadcast_in_dim3A_561 = vector.shape_cast %select_n3A_560 : vector<16xi32> to vector<16x1xi32>
      %gather3A_562 = vector.shape_cast %broadcast_in_dim3A_561 : vector<16x1xi32> to vector<16xi32>
      %gather3A_563 = tpu.dynamic_gather %get3A_548[%gather3A_562] in [0] : vector<16xf32>, vector<16xi32> -> vector<16xf32>
      %mul3A_564 = arith.mulf %gather3A_563, %get3A_553 : vector<16xf32>
      %add3A_565 = arith.addf %add3A_543, %mul3A_564 : vector<16xf32>
      %get3A_566 = arith.constant 22 : i32
      %get3A_567 = arith.index_cast %get3A_566 : i32 to index
      %get3A_568 = arith.index_cast %min3A_77 : i32 to index
      %get3A_569 = tpu.vector_load %arg9[%get3A_567, %get3A_568] {strides = array<i32>} : memref<64x128xf32, #tpu.memory_space<vmem>>, vector<1x16xf32>,
      %get3A_570 = vector.shape_cast %get3A_569 : vector<1x16xf32> to vector<16xf32>
      %get3A_571 = arith.constant 22 : i32
      %get3A_572 = arith.index_cast %get3A_571 : i32 to index
      %get3A_573 = arith.index_cast %min3A_79 : i32 to index
      %get3A_574 = tpu.vector_load %arg10[%get3A_572, %get3A_573] {strides = array<i32>} : memref<64x128xf32, #tpu.memory_space<vmem>>, vector<1x16xf32>,
      %get3A_575 = vector.shape_cast %get3A_574 : vector<1x16xf32> to vector<16xf32>
      %lt3A_576 = arith.constant 0 : i32
      %lt3A_577 = vector.broadcast %lt3A_576 : i32 to vector<16xi32>
      %lt3A_578 = arith.cmpi slt, %broadcast_in_dim3A, %lt3A_577 : vector<16xi32>
      %add3A_579 = arith.constant 16 : i32
      %add3A_580 = vector.broadcast %add3A_579 : i32 to vector<16xi32>
      %add3A_581 = arith.addi %broadcast_in_dim3A, %add3A_580 : vector<16xi32>
      %select_n3A_582 = arith.select %lt3A_578, %add3A_581, %broadcast_in_dim3A : vector<16xi1>, vector<16xi32>
      %broadcast_in_dim3A_583 = vector.shape_cast %select_n3A_582 : vector<16xi32> to vector<16x1xi32>
      %gather3A_584 = vector.shape_cast %broadcast_in_dim3A_583 : vector<16x1xi32> to vector<16xi32>
      %gather3A_585 = tpu.dynamic_gather %get3A_570[%gather3A_584] in [0] : vector<16xf32>, vector<16xi32> -> vector<16xf32>
      %mul3A_586 = arith.mulf %gather3A_585, %get3A_575 : vector<16xf32>
      %add3A_587 = arith.addf %add3A_565, %mul3A_586 : vector<16xf32>
      %get3A_588 = arith.constant 23 : i32
      %get3A_589 = arith.index_cast %get3A_588 : i32 to index
      %get3A_590 = arith.index_cast %min3A_77 : i32 to index
      %get3A_591 = tpu.vector_load %arg9[%get3A_589, %get3A_590] {strides = array<i32>} : memref<64x128xf32, #tpu.memory_space<vmem>>, vector<1x16xf32>,
      %get3A_592 = vector.shape_cast %get3A_591 : vector<1x16xf32> to vector<16xf32>
      %get3A_593 = arith.constant 23 : i32
      %get3A_594 = arith.index_cast %get3A_593 : i32 to index
      %get3A_595 = arith.index_cast %min3A_79 : i32 to index
      %get3A_596 = tpu.vector_load %arg10[%get3A_594, %get3A_595] {strides = array<i32>} : memref<64x128xf32, #tpu.memory_space<vmem>>, vector<1x16xf32>,
      %get3A_597 = vector.shape_cast %get3A_596 : vector<1x16xf32> to vector<16xf32>
      %lt3A_598 = arith.constant 0 : i32
      %lt3A_599 = vector.broadcast %lt3A_598 : i32 to vector<16xi32>
      %lt3A_600 = arith.cmpi slt, %broadcast_in_dim3A, %lt3A_599 : vector<16xi32>
      %add3A_601 = arith.constant 16 : i32
      %add3A_602 = vector.broadcast %add3A_601 : i32 to vector<16xi32>
      %add3A_603 = arith.addi %broadcast_in_dim3A, %add3A_602 : vector<16xi32>
      %select_n3A_604 = arith.select %lt3A_600, %add3A_603, %broadcast_in_dim3A : vector<16xi1>, vector<16xi32>
      %broadcast_in_dim3A_605 = vector.shape_cast %select_n3A_604 : vector<16xi32> to vector<16x1xi32>
      %gather3A_606 = vector.shape_cast %broadcast_in_dim3A_605 : vector<16x1xi32> to vector<16xi32>
      %gather3A_607 = tpu.dynamic_gather %get3A_592[%gather3A_606] in [0] : vector<16xf32>, vector<16xi32> -> vector<16xf32>
      %mul3A_608 = arith.mulf %gather3A_607, %get3A_597 : vector<16xf32>
      %add3A_609 = arith.addf %add3A_587, %mul3A_608 : vector<16xf32>
      %get3A_610 = arith.constant 24 : i32
      %get3A_611 = arith.index_cast %get3A_610 : i32 to index
      %get3A_612 = arith.index_cast %min3A_77 : i32 to index
      %get3A_613 = tpu.vector_load %arg9[%get3A_611, %get3A_612] {strides = array<i32>} : memref<64x128xf32, #tpu.memory_space<vmem>>, vector<1x16xf32>,
      %get3A_614 = vector.shape_cast %get3A_613 : vector<1x16xf32> to vector<16xf32>
      %get3A_615 = arith.constant 24 : i32
      %get3A_616 = arith.index_cast %get3A_615 : i32 to index
      %get3A_617 = arith.index_cast %min3A_79 : i32 to index
      %get3A_618 = tpu.vector_load %arg10[%get3A_616, %get3A_617] {strides = array<i32>} : memref<64x128xf32, #tpu.memory_space<vmem>>, vector<1x16xf32>,
      %get3A_619 = vector.shape_cast %get3A_618 : vector<1x16xf32> to vector<16xf32>
      %lt3A_620 = arith.constant 0 : i32
      %lt3A_621 = vector.broadcast %lt3A_620 : i32 to vector<16xi32>
      %lt3A_622 = arith.cmpi slt, %broadcast_in_dim3A, %lt3A_621 : vector<16xi32>
      %add3A_623 = arith.constant 16 : i32
      %add3A_624 = vector.broadcast %add3A_623 : i32 to vector<16xi32>
      %add3A_625 = arith.addi %broadcast_in_dim3A, %add3A_624 : vector<16xi32>
      %select_n3A_626 = arith.select %lt3A_622, %add3A_625, %broadcast_in_dim3A : vector<16xi1>, vector<16xi32>
      %broadcast_in_dim3A_627 = vector.shape_cast %select_n3A_626 : vector<16xi32> to vector<16x1xi32>
      %gather3A_628 = vector.shape_cast %broadcast_in_dim3A_627 : vector<16x1xi32> to vector<16xi32>
      %gather3A_629 = tpu.dynamic_gather %get3A_614[%gather3A_628] in [0] : vector<16xf32>, vector<16xi32> -> vector<16xf32>
      %mul3A_630 = arith.mulf %gather3A_629, %get3A_619 : vector<16xf32>
      %add3A_631 = arith.addf %add3A_609, %mul3A_630 : vector<16xf32>
      %get3A_632 = arith.constant 25 : i32
      %get3A_633 = arith.index_cast %get3A_632 : i32 to index
      %get3A_634 = arith.index_cast %min3A_77 : i32 to index
      %get3A_635 = tpu.vector_load %arg9[%get3A_633, %get3A_634] {strides = array<i32>} : memref<64x128xf32, #tpu.memory_space<vmem>>, vector<1x16xf32>,
      %get3A_636 = vector.shape_cast %get3A_635 : vector<1x16xf32> to vector<16xf32>
      %get3A_637 = arith.constant 25 : i32
      %get3A_638 = arith.index_cast %get3A_637 : i32 to index
      %get3A_639 = arith.index_cast %min3A_79 : i32 to index
      %get3A_640 = tpu.vector_load %arg10[%get3A_638, %get3A_639] {strides = array<i32>} : memref<64x128xf32, #tpu.memory_space<vmem>>, vector<1x16xf32>,
      %get3A_641 = vector.shape_cast %get3A_640 : vector<1x16xf32> to vector<16xf32>
      %lt3A_642 = arith.constant 0 : i32
      %lt3A_643 = vector.broadcast %lt3A_642 : i32 to vector<16xi32>
      %lt3A_644 = arith.cmpi slt, %broadcast_in_dim3A, %lt3A_643 : vector<16xi32>
      %add3A_645 = arith.constant 16 : i32
      %add3A_646 = vector.broadcast %add3A_645 : i32 to vector<16xi32>
      %add3A_647 = arith.addi %broadcast_in_dim3A, %add3A_646 : vector<16xi32>
      %select_n3A_648 = arith.select %lt3A_644, %add3A_647, %broadcast_in_dim3A : vector<16xi1>, vector<16xi32>
      %broadcast_in_dim3A_649 = vector.shape_cast %select_n3A_648 : vector<16xi32> to vector<16x1xi32>
      %gather3A_650 = vector.shape_cast %broadcast_in_dim3A_649 : vector<16x1xi32> to vector<16xi32>
      %gather3A_651 = tpu.dynamic_gather %get3A_636[%gather3A_650] in [0] : vector<16xf32>, vector<16xi32> -> vector<16xf32>
      %mul3A_652 = arith.mulf %gather3A_651, %get3A_641 : vector<16xf32>
      %add3A_653 = arith.addf %add3A_631, %mul3A_652 : vector<16xf32>
      %get3A_654 = arith.constant 26 : i32
      %get3A_655 = arith.index_cast %get3A_654 : i32 to index
      %get3A_656 = arith.index_cast %min3A_77 : i32 to index
      %get3A_657 = tpu.vector_load %arg9[%get3A_655, %get3A_656] {strides = array<i32>} : memref<64x128xf32, #tpu.memory_space<vmem>>, vector<1x16xf32>,
      %get3A_658 = vector.shape_cast %get3A_657 : vector<1x16xf32> to vector<16xf32>
      %get3A_659 = arith.constant 26 : i32
      %get3A_660 = arith.index_cast %get3A_659 : i32 to index
      %get3A_661 = arith.index_cast %min3A_79 : i32 to index
      %get3A_662 = tpu.vector_load %arg10[%get3A_660, %get3A_661] {strides = array<i32>} : memref<64x128xf32, #tpu.memory_space<vmem>>, vector<1x16xf32>,
      %get3A_663 = vector.shape_cast %get3A_662 : vector<1x16xf32> to vector<16xf32>
      %lt3A_664 = arith.constant 0 : i32
      %lt3A_665 = vector.broadcast %lt3A_664 : i32 to vector<16xi32>
      %lt3A_666 = arith.cmpi slt, %broadcast_in_dim3A, %lt3A_665 : vector<16xi32>
      %add3A_667 = arith.constant 16 : i32
      %add3A_668 = vector.broadcast %add3A_667 : i32 to vector<16xi32>
      %add3A_669 = arith.addi %broadcast_in_dim3A, %add3A_668 : vector<16xi32>
      %select_n3A_670 = arith.select %lt3A_666, %add3A_669, %broadcast_in_dim3A : vector<16xi1>, vector<16xi32>
      %broadcast_in_dim3A_671 = vector.shape_cast %select_n3A_670 : vector<16xi32> to vector<16x1xi32>
      %gather3A_672 = vector.shape_cast %broadcast_in_dim3A_671 : vector<16x1xi32> to vector<16xi32>
      %gather3A_673 = tpu.dynamic_gather %get3A_658[%gather3A_672] in [0] : vector<16xf32>, vector<16xi32> -> vector<16xf32>
      %mul3A_674 = arith.mulf %gather3A_673, %get3A_663 : vector<16xf32>
      %add3A_675 = arith.addf %add3A_653, %mul3A_674 : vector<16xf32>
      %get3A_676 = arith.constant 27 : i32
      %get3A_677 = arith.index_cast %get3A_676 : i32 to index
      %get3A_678 = arith.index_cast %min3A_77 : i32 to index
      %get3A_679 = tpu.vector_load %arg9[%get3A_677, %get3A_678] {strides = array<i32>} : memref<64x128xf32, #tpu.memory_space<vmem>>, vector<1x16xf32>,
      %get3A_680 = vector.shape_cast %get3A_679 : vector<1x16xf32> to vector<16xf32>
      %get3A_681 = arith.constant 27 : i32
      %get3A_682 = arith.index_cast %get3A_681 : i32 to index
      %get3A_683 = arith.index_cast %min3A_79 : i32 to index
      %get3A_684 = tpu.vector_load %arg10[%get3A_682, %get3A_683] {strides = array<i32>} : memref<64x128xf32, #tpu.memory_space<vmem>>, vector<1x16xf32>,
      %get3A_685 = vector.shape_cast %get3A_684 : vector<1x16xf32> to vector<16xf32>
      %lt3A_686 = arith.constant 0 : i32
      %lt3A_687 = vector.broadcast %lt3A_686 : i32 to vector<16xi32>
      %lt3A_688 = arith.cmpi slt, %broadcast_in_dim3A, %lt3A_687 : vector<16xi32>
      %add3A_689 = arith.constant 16 : i32
      %add3A_690 = vector.broadcast %add3A_689 : i32 to vector<16xi32>
      %add3A_691 = arith.addi %broadcast_in_dim3A, %add3A_690 : vector<16xi32>
      %select_n3A_692 = arith.select %lt3A_688, %add3A_691, %broadcast_in_dim3A : vector<16xi1>, vector<16xi32>
      %broadcast_in_dim3A_693 = vector.shape_cast %select_n3A_692 : vector<16xi32> to vector<16x1xi32>
      %gather3A_694 = vector.shape_cast %broadcast_in_dim3A_693 : vector<16x1xi32> to vector<16xi32>
      %gather3A_695 = tpu.dynamic_gather %get3A_680[%gather3A_694] in [0] : vector<16xf32>, vector<16xi32> -> vector<16xf32>
      %mul3A_696 = arith.mulf %gather3A_695, %get3A_685 : vector<16xf32>
      %add3A_697 = arith.addf %add3A_675, %mul3A_696 : vector<16xf32>
      %get3A_698 = arith.constant 28 : i32
      %get3A_699 = arith.index_cast %get3A_698 : i32 to index
      %get3A_700 = arith.index_cast %min3A_77 : i32 to index
      %get3A_701 = tpu.vector_load %arg9[%get3A_699, %get3A_700] {strides = array<i32>} : memref<64x128xf32, #tpu.memory_space<vmem>>, vector<1x16xf32>,
      %get3A_702 = vector.shape_cast %get3A_701 : vector<1x16xf32> to vector<16xf32>
      %get3A_703 = arith.constant 28 : i32
      %get3A_704 = arith.index_cast %get3A_703 : i32 to index
      %get3A_705 = arith.index_cast %min3A_79 : i32 to index
      %get3A_706 = tpu.vector_load %arg10[%get3A_704, %get3A_705] {strides = array<i32>} : memref<64x128xf32, #tpu.memory_space<vmem>>, vector<1x16xf32>,
      %get3A_707 = vector.shape_cast %get3A_706 : vector<1x16xf32> to vector<16xf32>
      %lt3A_708 = arith.constant 0 : i32
      %lt3A_709 = vector.broadcast %lt3A_708 : i32 to vector<16xi32>
      %lt3A_710 = arith.cmpi slt, %broadcast_in_dim3A, %lt3A_709 : vector<16xi32>
      %add3A_711 = arith.constant 16 : i32
      %add3A_712 = vector.broadcast %add3A_711 : i32 to vector<16xi32>
      %add3A_713 = arith.addi %broadcast_in_dim3A, %add3A_712 : vector<16xi32>
      %select_n3A_714 = arith.select %lt3A_710, %add3A_713, %broadcast_in_dim3A : vector<16xi1>, vector<16xi32>
      %broadcast_in_dim3A_715 = vector.shape_cast %select_n3A_714 : vector<16xi32> to vector<16x1xi32>
      %gather3A_716 = vector.shape_cast %broadcast_in_dim3A_715 : vector<16x1xi32> to vector<16xi32>
      %gather3A_717 = tpu.dynamic_gather %get3A_702[%gather3A_716] in [0] : vector<16xf32>, vector<16xi32> -> vector<16xf32>
      %mul3A_718 = arith.mulf %gather3A_717, %get3A_707 : vector<16xf32>
      %add3A_719 = arith.addf %add3A_697, %mul3A_718 : vector<16xf32>
      %get3A_720 = arith.constant 29 : i32
      %get3A_721 = arith.index_cast %get3A_720 : i32 to index
      %get3A_722 = arith.index_cast %min3A_77 : i32 to index
      %get3A_723 = tpu.vector_load %arg9[%get3A_721, %get3A_722] {strides = array<i32>} : memref<64x128xf32, #tpu.memory_space<vmem>>, vector<1x16xf32>,
      %get3A_724 = vector.shape_cast %get3A_723 : vector<1x16xf32> to vector<16xf32>
      %get3A_725 = arith.constant 29 : i32
      %get3A_726 = arith.index_cast %get3A_725 : i32 to index
      %get3A_727 = arith.index_cast %min3A_79 : i32 to index
      %get3A_728 = tpu.vector_load %arg10[%get3A_726, %get3A_727] {strides = array<i32>} : memref<64x128xf32, #tpu.memory_space<vmem>>, vector<1x16xf32>,
      %get3A_729 = vector.shape_cast %get3A_728 : vector<1x16xf32> to vector<16xf32>
      %lt3A_730 = arith.constant 0 : i32
      %lt3A_731 = vector.broadcast %lt3A_730 : i32 to vector<16xi32>
      %lt3A_732 = arith.cmpi slt, %broadcast_in_dim3A, %lt3A_731 : vector<16xi32>
      %add3A_733 = arith.constant 16 : i32
      %add3A_734 = vector.broadcast %add3A_733 : i32 to vector<16xi32>
      %add3A_735 = arith.addi %broadcast_in_dim3A, %add3A_734 : vector<16xi32>
      %select_n3A_736 = arith.select %lt3A_732, %add3A_735, %broadcast_in_dim3A : vector<16xi1>, vector<16xi32>
      %broadcast_in_dim3A_737 = vector.shape_cast %select_n3A_736 : vector<16xi32> to vector<16x1xi32>
      %gather3A_738 = vector.shape_cast %broadcast_in_dim3A_737 : vector<16x1xi32> to vector<16xi32>
      %gather3A_739 = tpu.dynamic_gather %get3A_724[%gather3A_738] in [0] : vector<16xf32>, vector<16xi32> -> vector<16xf32>
      %mul3A_740 = arith.mulf %gather3A_739, %get3A_729 : vector<16xf32>
      %add3A_741 = arith.addf %add3A_719, %mul3A_740 : vector<16xf32>
      %get3A_742 = arith.constant 30 : i32
      %get3A_743 = arith.index_cast %get3A_742 : i32 to index
      %get3A_744 = arith.index_cast %min3A_77 : i32 to index
      %get3A_745 = tpu.vector_load %arg9[%get3A_743, %get3A_744] {strides = array<i32>} : memref<64x128xf32, #tpu.memory_space<vmem>>, vector<1x16xf32>,
      %get3A_746 = vector.shape_cast %get3A_745 : vector<1x16xf32> to vector<16xf32>
      %get3A_747 = arith.constant 30 : i32
      %get3A_748 = arith.index_cast %get3A_747 : i32 to index
      %get3A_749 = arith.index_cast %min3A_79 : i32 to index
      %get3A_750 = tpu.vector_load %arg10[%get3A_748, %get3A_749] {strides = array<i32>} : memref<64x128xf32, #tpu.memory_space<vmem>>, vector<1x16xf32>,
      %get3A_751 = vector.shape_cast %get3A_750 : vector<1x16xf32> to vector<16xf32>
      %lt3A_752 = arith.constant 0 : i32
      %lt3A_753 = vector.broadcast %lt3A_752 : i32 to vector<16xi32>
      %lt3A_754 = arith.cmpi slt, %broadcast_in_dim3A, %lt3A_753 : vector<16xi32>
      %add3A_755 = arith.constant 16 : i32
      %add3A_756 = vector.broadcast %add3A_755 : i32 to vector<16xi32>
      %add3A_757 = arith.addi %broadcast_in_dim3A, %add3A_756 : vector<16xi32>
      %select_n3A_758 = arith.select %lt3A_754, %add3A_757, %broadcast_in_dim3A : vector<16xi1>, vector<16xi32>
      %broadcast_in_dim3A_759 = vector.shape_cast %select_n3A_758 : vector<16xi32> to vector<16x1xi32>
      %gather3A_760 = vector.shape_cast %broadcast_in_dim3A_759 : vector<16x1xi32> to vector<16xi32>
      %gather3A_761 = tpu.dynamic_gather %get3A_746[%gather3A_760] in [0] : vector<16xf32>, vector<16xi32> -> vector<16xf32>
      %mul3A_762 = arith.mulf %gather3A_761, %get3A_751 : vector<16xf32>
      %add3A_763 = arith.addf %add3A_741, %mul3A_762 : vector<16xf32>
      %get3A_764 = arith.constant 31 : i32
      %get3A_765 = arith.index_cast %get3A_764 : i32 to index
      %get3A_766 = arith.index_cast %min3A_77 : i32 to index
      %get3A_767 = tpu.vector_load %arg9[%get3A_765, %get3A_766] {strides = array<i32>} : memref<64x128xf32, #tpu.memory_space<vmem>>, vector<1x16xf32>,
      %get3A_768 = vector.shape_cast %get3A_767 : vector<1x16xf32> to vector<16xf32>
      %get3A_769 = arith.constant 31 : i32
      %get3A_770 = arith.index_cast %get3A_769 : i32 to index
      %get3A_771 = arith.index_cast %min3A_79 : i32 to index
      %get3A_772 = tpu.vector_load %arg10[%get3A_770, %get3A_771] {strides = array<i32>} : memref<64x128xf32, #tpu.memory_space<vmem>>, vector<1x16xf32>,
      %get3A_773 = vector.shape_cast %get3A_772 : vector<1x16xf32> to vector<16xf32>
      %lt3A_774 = arith.constant 0 : i32
      %lt3A_775 = vector.broadcast %lt3A_774 : i32 to vector<16xi32>
      %lt3A_776 = arith.cmpi slt, %broadcast_in_dim3A, %lt3A_775 : vector<16xi32>
      %add3A_777 = arith.constant 16 : i32
      %add3A_778 = vector.broadcast %add3A_777 : i32 to vector<16xi32>
      %add3A_779 = arith.addi %broadcast_in_dim3A, %add3A_778 : vector<16xi32>
      %select_n3A_780 = arith.select %lt3A_776, %add3A_779, %broadcast_in_dim3A : vector<16xi1>, vector<16xi32>
      %broadcast_in_dim3A_781 = vector.shape_cast %select_n3A_780 : vector<16xi32> to vector<16x1xi32>
      %gather3A_782 = vector.shape_cast %broadcast_in_dim3A_781 : vector<16x1xi32> to vector<16xi32>
      %gather3A_783 = tpu.dynamic_gather %get3A_768[%gather3A_782] in [0] : vector<16xf32>, vector<16xi32> -> vector<16xf32>
      %mul3A_784 = arith.mulf %gather3A_783, %get3A_773 : vector<16xf32>
      %add3A_785 = arith.addf %add3A_763, %mul3A_784 : vector<16xf32>
      %get3A_786 = arith.constant 32 : i32
      %get3A_787 = arith.index_cast %get3A_786 : i32 to index
      %get3A_788 = arith.index_cast %min3A_77 : i32 to index
      %get3A_789 = tpu.vector_load %arg9[%get3A_787, %get3A_788] {strides = array<i32>} : memref<64x128xf32, #tpu.memory_space<vmem>>, vector<1x16xf32>,
      %get3A_790 = vector.shape_cast %get3A_789 : vector<1x16xf32> to vector<16xf32>
      %get3A_791 = arith.constant 32 : i32
      %get3A_792 = arith.index_cast %get3A_791 : i32 to index
      %get3A_793 = arith.index_cast %min3A_79 : i32 to index
      %get3A_794 = tpu.vector_load %arg10[%get3A_792, %get3A_793] {strides = array<i32>} : memref<64x128xf32, #tpu.memory_space<vmem>>, vector<1x16xf32>,
      %get3A_795 = vector.shape_cast %get3A_794 : vector<1x16xf32> to vector<16xf32>
      %lt3A_796 = arith.constant 0 : i32
      %lt3A_797 = vector.broadcast %lt3A_796 : i32 to vector<16xi32>
      %lt3A_798 = arith.cmpi slt, %broadcast_in_dim3A, %lt3A_797 : vector<16xi32>
      %add3A_799 = arith.constant 16 : i32
      %add3A_800 = vector.broadcast %add3A_799 : i32 to vector<16xi32>
      %add3A_801 = arith.addi %broadcast_in_dim3A, %add3A_800 : vector<16xi32>
      %select_n3A_802 = arith.select %lt3A_798, %add3A_801, %broadcast_in_dim3A : vector<16xi1>, vector<16xi32>
      %broadcast_in_dim3A_803 = vector.shape_cast %select_n3A_802 : vector<16xi32> to vector<16x1xi32>
      %gather3A_804 = vector.shape_cast %broadcast_in_dim3A_803 : vector<16x1xi32> to vector<16xi32>
      %gather3A_805 = tpu.dynamic_gather %get3A_790[%gather3A_804] in [0] : vector<16xf32>, vector<16xi32> -> vector<16xf32>
      %mul3A_806 = arith.mulf %gather3A_805, %get3A_795 : vector<16xf32>
      %add3A_807 = arith.addf %add3A_785, %mul3A_806 : vector<16xf32>
      %get3A_808 = arith.constant 33 : i32
      %get3A_809 = arith.index_cast %get3A_808 : i32 to index
      %get3A_810 = arith.index_cast %min3A_77 : i32 to index
      %get3A_811 = tpu.vector_load %arg9[%get3A_809, %get3A_810] {strides = array<i32>} : memref<64x128xf32, #tpu.memory_space<vmem>>, vector<1x16xf32>,
      %get3A_812 = vector.shape_cast %get3A_811 : vector<1x16xf32> to vector<16xf32>
      %get3A_813 = arith.constant 33 : i32
      %get3A_814 = arith.index_cast %get3A_813 : i32 to index
      %get3A_815 = arith.index_cast %min3A_79 : i32 to index
      %get3A_816 = tpu.vector_load %arg10[%get3A_814, %get3A_815] {strides = array<i32>} : memref<64x128xf32, #tpu.memory_space<vmem>>, vector<1x16xf32>,
      %get3A_817 = vector.shape_cast %get3A_816 : vector<1x16xf32> to vector<16xf32>
      %lt3A_818 = arith.constant 0 : i32
      %lt3A_819 = vector.broadcast %lt3A_818 : i32 to vector<16xi32>
      %lt3A_820 = arith.cmpi slt, %broadcast_in_dim3A, %lt3A_819 : vector<16xi32>
      %add3A_821 = arith.constant 16 : i32
      %add3A_822 = vector.broadcast %add3A_821 : i32 to vector<16xi32>
      %add3A_823 = arith.addi %broadcast_in_dim3A, %add3A_822 : vector<16xi32>
      %select_n3A_824 = arith.select %lt3A_820, %add3A_823, %broadcast_in_dim3A : vector<16xi1>, vector<16xi32>
      %broadcast_in_dim3A_825 = vector.shape_cast %select_n3A_824 : vector<16xi32> to vector<16x1xi32>
      %gather3A_826 = vector.shape_cast %broadcast_in_dim3A_825 : vector<16x1xi32> to vector<16xi32>
      %gather3A_827 = tpu.dynamic_gather %get3A_812[%gather3A_826] in [0] : vector<16xf32>, vector<16xi32> -> vector<16xf32>
      %mul3A_828 = arith.mulf %gather3A_827, %get3A_817 : vector<16xf32>
      %add3A_829 = arith.addf %add3A_807, %mul3A_828 : vector<16xf32>
      %get3A_830 = arith.constant 34 : i32
      %get3A_831 = arith.index_cast %get3A_830 : i32 to index
      %get3A_832 = arith.index_cast %min3A_77 : i32 to index
      %get3A_833 = tpu.vector_load %arg9[%get3A_831, %get3A_832] {strides = array<i32>} : memref<64x128xf32, #tpu.memory_space<vmem>>, vector<1x16xf32>,
      %get3A_834 = vector.shape_cast %get3A_833 : vector<1x16xf32> to vector<16xf32>
      %get3A_835 = arith.constant 34 : i32
      %get3A_836 = arith.index_cast %get3A_835 : i32 to index
      %get3A_837 = arith.index_cast %min3A_79 : i32 to index
      %get3A_838 = tpu.vector_load %arg10[%get3A_836, %get3A_837] {strides = array<i32>} : memref<64x128xf32, #tpu.memory_space<vmem>>, vector<1x16xf32>,
      %get3A_839 = vector.shape_cast %get3A_838 : vector<1x16xf32> to vector<16xf32>
      %lt3A_840 = arith.constant 0 : i32
      %lt3A_841 = vector.broadcast %lt3A_840 : i32 to vector<16xi32>
      %lt3A_842 = arith.cmpi slt, %broadcast_in_dim3A, %lt3A_841 : vector<16xi32>
      %add3A_843 = arith.constant 16 : i32
      %add3A_844 = vector.broadcast %add3A_843 : i32 to vector<16xi32>
      %add3A_845 = arith.addi %broadcast_in_dim3A, %add3A_844 : vector<16xi32>
      %select_n3A_846 = arith.select %lt3A_842, %add3A_845, %broadcast_in_dim3A : vector<16xi1>, vector<16xi32>
      %broadcast_in_dim3A_847 = vector.shape_cast %select_n3A_846 : vector<16xi32> to vector<16x1xi32>
      %gather3A_848 = vector.shape_cast %broadcast_in_dim3A_847 : vector<16x1xi32> to vector<16xi32>
      %gather3A_849 = tpu.dynamic_gather %get3A_834[%gather3A_848] in [0] : vector<16xf32>, vector<16xi32> -> vector<16xf32>
      %mul3A_850 = arith.mulf %gather3A_849, %get3A_839 : vector<16xf32>
      %add3A_851 = arith.addf %add3A_829, %mul3A_850 : vector<16xf32>
      %get3A_852 = arith.constant 35 : i32
      %get3A_853 = arith.index_cast %get3A_852 : i32 to index
      %get3A_854 = arith.index_cast %min3A_77 : i32 to index
      %get3A_855 = tpu.vector_load %arg9[%get3A_853, %get3A_854] {strides = array<i32>} : memref<64x128xf32, #tpu.memory_space<vmem>>, vector<1x16xf32>,
      %get3A_856 = vector.shape_cast %get3A_855 : vector<1x16xf32> to vector<16xf32>
      %get3A_857 = arith.constant 35 : i32
      %get3A_858 = arith.index_cast %get3A_857 : i32 to index
      %get3A_859 = arith.index_cast %min3A_79 : i32 to index
      %get3A_860 = tpu.vector_load %arg10[%get3A_858, %get3A_859] {strides = array<i32>} : memref<64x128xf32, #tpu.memory_space<vmem>>, vector<1x16xf32>,
      %get3A_861 = vector.shape_cast %get3A_860 : vector<1x16xf32> to vector<16xf32>
      %lt3A_862 = arith.constant 0 : i32
      %lt3A_863 = vector.broadcast %lt3A_862 : i32 to vector<16xi32>
      %lt3A_864 = arith.cmpi slt, %broadcast_in_dim3A, %lt3A_863 : vector<16xi32>
      %add3A_865 = arith.constant 16 : i32
      %add3A_866 = vector.broadcast %add3A_865 : i32 to vector<16xi32>
      %add3A_867 = arith.addi %broadcast_in_dim3A, %add3A_866 : vector<16xi32>
      %select_n3A_868 = arith.select %lt3A_864, %add3A_867, %broadcast_in_dim3A : vector<16xi1>, vector<16xi32>
      %broadcast_in_dim3A_869 = vector.shape_cast %select_n3A_868 : vector<16xi32> to vector<16x1xi32>
      %gather3A_870 = vector.shape_cast %broadcast_in_dim3A_869 : vector<16x1xi32> to vector<16xi32>
      %gather3A_871 = tpu.dynamic_gather %get3A_856[%gather3A_870] in [0] : vector<16xf32>, vector<16xi32> -> vector<16xf32>
      %mul3A_872 = arith.mulf %gather3A_871, %get3A_861 : vector<16xf32>
      %add3A_873 = arith.addf %add3A_851, %mul3A_872 : vector<16xf32>
      %get3A_874 = arith.constant 36 : i32
      %get3A_875 = arith.index_cast %get3A_874 : i32 to index
      %get3A_876 = arith.index_cast %min3A_77 : i32 to index
      %get3A_877 = tpu.vector_load %arg9[%get3A_875, %get3A_876] {strides = array<i32>} : memref<64x128xf32, #tpu.memory_space<vmem>>, vector<1x16xf32>,
      %get3A_878 = vector.shape_cast %get3A_877 : vector<1x16xf32> to vector<16xf32>
      %get3A_879 = arith.constant 36 : i32
      %get3A_880 = arith.index_cast %get3A_879 : i32 to index
      %get3A_881 = arith.index_cast %min3A_79 : i32 to index
      %get3A_882 = tpu.vector_load %arg10[%get3A_880, %get3A_881] {strides = array<i32>} : memref<64x128xf32, #tpu.memory_space<vmem>>, vector<1x16xf32>,
      %get3A_883 = vector.shape_cast %get3A_882 : vector<1x16xf32> to vector<16xf32>
      %lt3A_884 = arith.constant 0 : i32
      %lt3A_885 = vector.broadcast %lt3A_884 : i32 to vector<16xi32>
      %lt3A_886 = arith.cmpi slt, %broadcast_in_dim3A, %lt3A_885 : vector<16xi32>
      %add3A_887 = arith.constant 16 : i32
      %add3A_888 = vector.broadcast %add3A_887 : i32 to vector<16xi32>
      %add3A_889 = arith.addi %broadcast_in_dim3A, %add3A_888 : vector<16xi32>
      %select_n3A_890 = arith.select %lt3A_886, %add3A_889, %broadcast_in_dim3A : vector<16xi1>, vector<16xi32>
      %broadcast_in_dim3A_891 = vector.shape_cast %select_n3A_890 : vector<16xi32> to vector<16x1xi32>
      %gather3A_892 = vector.shape_cast %broadcast_in_dim3A_891 : vector<16x1xi32> to vector<16xi32>
      %gather3A_893 = tpu.dynamic_gather %get3A_878[%gather3A_892] in [0] : vector<16xf32>, vector<16xi32> -> vector<16xf32>
      %mul3A_894 = arith.mulf %gather3A_893, %get3A_883 : vector<16xf32>
      %add3A_895 = arith.addf %add3A_873, %mul3A_894 : vector<16xf32>
      %get3A_896 = arith.constant 37 : i32
      %get3A_897 = arith.index_cast %get3A_896 : i32 to index
      %get3A_898 = arith.index_cast %min3A_77 : i32 to index
      %get3A_899 = tpu.vector_load %arg9[%get3A_897, %get3A_898] {strides = array<i32>} : memref<64x128xf32, #tpu.memory_space<vmem>>, vector<1x16xf32>,
      %get3A_900 = vector.shape_cast %get3A_899 : vector<1x16xf32> to vector<16xf32>
      %get3A_901 = arith.constant 37 : i32
      %get3A_902 = arith.index_cast %get3A_901 : i32 to index
      %get3A_903 = arith.index_cast %min3A_79 : i32 to index
      %get3A_904 = tpu.vector_load %arg10[%get3A_902, %get3A_903] {strides = array<i32>} : memref<64x128xf32, #tpu.memory_space<vmem>>, vector<1x16xf32>,
      %get3A_905 = vector.shape_cast %get3A_904 : vector<1x16xf32> to vector<16xf32>
      %lt3A_906 = arith.constant 0 : i32
      %lt3A_907 = vector.broadcast %lt3A_906 : i32 to vector<16xi32>
      %lt3A_908 = arith.cmpi slt, %broadcast_in_dim3A, %lt3A_907 : vector<16xi32>
      %add3A_909 = arith.constant 16 : i32
      %add3A_910 = vector.broadcast %add3A_909 : i32 to vector<16xi32>
      %add3A_911 = arith.addi %broadcast_in_dim3A, %add3A_910 : vector<16xi32>
      %select_n3A_912 = arith.select %lt3A_908, %add3A_911, %broadcast_in_dim3A : vector<16xi1>, vector<16xi32>
      %broadcast_in_dim3A_913 = vector.shape_cast %select_n3A_912 : vector<16xi32> to vector<16x1xi32>
      %gather3A_914 = vector.shape_cast %broadcast_in_dim3A_913 : vector<16x1xi32> to vector<16xi32>
      %gather3A_915 = tpu.dynamic_gather %get3A_900[%gather3A_914] in [0] : vector<16xf32>, vector<16xi32> -> vector<16xf32>
      %mul3A_916 = arith.mulf %gather3A_915, %get3A_905 : vector<16xf32>
      %add3A_917 = arith.addf %add3A_895, %mul3A_916 : vector<16xf32>
      %get3A_918 = arith.constant 38 : i32
      %get3A_919 = arith.index_cast %get3A_918 : i32 to index
      %get3A_920 = arith.index_cast %min3A_77 : i32 to index
      %get3A_921 = tpu.vector_load %arg9[%get3A_919, %get3A_920] {strides = array<i32>} : memref<64x128xf32, #tpu.memory_space<vmem>>, vector<1x16xf32>,
      %get3A_922 = vector.shape_cast %get3A_921 : vector<1x16xf32> to vector<16xf32>
      %get3A_923 = arith.constant 38 : i32
      %get3A_924 = arith.index_cast %get3A_923 : i32 to index
      %get3A_925 = arith.index_cast %min3A_79 : i32 to index
      %get3A_926 = tpu.vector_load %arg10[%get3A_924, %get3A_925] {strides = array<i32>} : memref<64x128xf32, #tpu.memory_space<vmem>>, vector<1x16xf32>,
      %get3A_927 = vector.shape_cast %get3A_926 : vector<1x16xf32> to vector<16xf32>
      %lt3A_928 = arith.constant 0 : i32
      %lt3A_929 = vector.broadcast %lt3A_928 : i32 to vector<16xi32>
      %lt3A_930 = arith.cmpi slt, %broadcast_in_dim3A, %lt3A_929 : vector<16xi32>
      %add3A_931 = arith.constant 16 : i32
      %add3A_932 = vector.broadcast %add3A_931 : i32 to vector<16xi32>
      %add3A_933 = arith.addi %broadcast_in_dim3A, %add3A_932 : vector<16xi32>
      %select_n3A_934 = arith.select %lt3A_930, %add3A_933, %broadcast_in_dim3A : vector<16xi1>, vector<16xi32>
      %broadcast_in_dim3A_935 = vector.shape_cast %select_n3A_934 : vector<16xi32> to vector<16x1xi32>
      %gather3A_936 = vector.shape_cast %broadcast_in_dim3A_935 : vector<16x1xi32> to vector<16xi32>
      %gather3A_937 = tpu.dynamic_gather %get3A_922[%gather3A_936] in [0] : vector<16xf32>, vector<16xi32> -> vector<16xf32>
      %mul3A_938 = arith.mulf %gather3A_937, %get3A_927 : vector<16xf32>
      %add3A_939 = arith.addf %add3A_917, %mul3A_938 : vector<16xf32>
      %get3A_940 = arith.constant 39 : i32
      %get3A_941 = arith.index_cast %get3A_940 : i32 to index
      %get3A_942 = arith.index_cast %min3A_77 : i32 to index
      %get3A_943 = tpu.vector_load %arg9[%get3A_941, %get3A_942] {strides = array<i32>} : memref<64x128xf32, #tpu.memory_space<vmem>>, vector<1x16xf32>,
      %get3A_944 = vector.shape_cast %get3A_943 : vector<1x16xf32> to vector<16xf32>
      %get3A_945 = arith.constant 39 : i32
      %get3A_946 = arith.index_cast %get3A_945 : i32 to index
      %get3A_947 = arith.index_cast %min3A_79 : i32 to index
      %get3A_948 = tpu.vector_load %arg10[%get3A_946, %get3A_947] {strides = array<i32>} : memref<64x128xf32, #tpu.memory_space<vmem>>, vector<1x16xf32>,
      %get3A_949 = vector.shape_cast %get3A_948 : vector<1x16xf32> to vector<16xf32>
      %lt3A_950 = arith.constant 0 : i32
      %lt3A_951 = vector.broadcast %lt3A_950 : i32 to vector<16xi32>
      %lt3A_952 = arith.cmpi slt, %broadcast_in_dim3A, %lt3A_951 : vector<16xi32>
      %add3A_953 = arith.constant 16 : i32
      %add3A_954 = vector.broadcast %add3A_953 : i32 to vector<16xi32>
      %add3A_955 = arith.addi %broadcast_in_dim3A, %add3A_954 : vector<16xi32>
      %select_n3A_956 = arith.select %lt3A_952, %add3A_955, %broadcast_in_dim3A : vector<16xi1>, vector<16xi32>
      %broadcast_in_dim3A_957 = vector.shape_cast %select_n3A_956 : vector<16xi32> to vector<16x1xi32>
      %gather3A_958 = vector.shape_cast %broadcast_in_dim3A_957 : vector<16x1xi32> to vector<16xi32>
      %gather3A_959 = tpu.dynamic_gather %get3A_944[%gather3A_958] in [0] : vector<16xf32>, vector<16xi32> -> vector<16xf32>
      %mul3A_960 = arith.mulf %gather3A_959, %get3A_949 : vector<16xf32>
      %add3A_961 = arith.addf %add3A_939, %mul3A_960 : vector<16xf32>
      %get3A_962 = arith.constant 40 : i32
      %get3A_963 = arith.index_cast %get3A_962 : i32 to index
      %get3A_964 = arith.index_cast %min3A_77 : i32 to index
      %get3A_965 = tpu.vector_load %arg9[%get3A_963, %get3A_964] {strides = array<i32>} : memref<64x128xf32, #tpu.memory_space<vmem>>, vector<1x16xf32>,
      %get3A_966 = vector.shape_cast %get3A_965 : vector<1x16xf32> to vector<16xf32>
      %get3A_967 = arith.constant 40 : i32
      %get3A_968 = arith.index_cast %get3A_967 : i32 to index
      %get3A_969 = arith.index_cast %min3A_79 : i32 to index
      %get3A_970 = tpu.vector_load %arg10[%get3A_968, %get3A_969] {strides = array<i32>} : memref<64x128xf32, #tpu.memory_space<vmem>>, vector<1x16xf32>,
      %get3A_971 = vector.shape_cast %get3A_970 : vector<1x16xf32> to vector<16xf32>
      %lt3A_972 = arith.constant 0 : i32
      %lt3A_973 = vector.broadcast %lt3A_972 : i32 to vector<16xi32>
      %lt3A_974 = arith.cmpi slt, %broadcast_in_dim3A, %lt3A_973 : vector<16xi32>
      %add3A_975 = arith.constant 16 : i32
      %add3A_976 = vector.broadcast %add3A_975 : i32 to vector<16xi32>
      %add3A_977 = arith.addi %broadcast_in_dim3A, %add3A_976 : vector<16xi32>
      %select_n3A_978 = arith.select %lt3A_974, %add3A_977, %broadcast_in_dim3A : vector<16xi1>, vector<16xi32>
      %broadcast_in_dim3A_979 = vector.shape_cast %select_n3A_978 : vector<16xi32> to vector<16x1xi32>
      %gather3A_980 = vector.shape_cast %broadcast_in_dim3A_979 : vector<16x1xi32> to vector<16xi32>
      %gather3A_981 = tpu.dynamic_gather %get3A_966[%gather3A_980] in [0] : vector<16xf32>, vector<16xi32> -> vector<16xf32>
      %mul3A_982 = arith.mulf %gather3A_981, %get3A_971 : vector<16xf32>
      %add3A_983 = arith.addf %add3A_961, %mul3A_982 : vector<16xf32>
      %get3A_984 = arith.constant 41 : i32
      %get3A_985 = arith.index_cast %get3A_984 : i32 to index
      %get3A_986 = arith.index_cast %min3A_77 : i32 to index
      %get3A_987 = tpu.vector_load %arg9[%get3A_985, %get3A_986] {strides = array<i32>} : memref<64x128xf32, #tpu.memory_space<vmem>>, vector<1x16xf32>,
      %get3A_988 = vector.shape_cast %get3A_987 : vector<1x16xf32> to vector<16xf32>
      %get3A_989 = arith.constant 41 : i32
      %get3A_990 = arith.index_cast %get3A_989 : i32 to index
      %get3A_991 = arith.index_cast %min3A_79 : i32 to index
      %get3A_992 = tpu.vector_load %arg10[%get3A_990, %get3A_991] {strides = array<i32>} : memref<64x128xf32, #tpu.memory_space<vmem>>, vector<1x16xf32>,
      %get3A_993 = vector.shape_cast %get3A_992 : vector<1x16xf32> to vector<16xf32>
      %lt3A_994 = arith.constant 0 : i32
      %lt3A_995 = vector.broadcast %lt3A_994 : i32 to vector<16xi32>
      %lt3A_996 = arith.cmpi slt, %broadcast_in_dim3A, %lt3A_995 : vector<16xi32>
      %add3A_997 = arith.constant 16 : i32
      %add3A_998 = vector.broadcast %add3A_997 : i32 to vector<16xi32>
      %add3A_999 = arith.addi %broadcast_in_dim3A, %add3A_998 : vector<16xi32>
      %select_n3A_1000 = arith.select %lt3A_996, %add3A_999, %broadcast_in_dim3A : vector<16xi1>, vector<16xi32>
      %broadcast_in_dim3A_1001 = vector.shape_cast %select_n3A_1000 : vector<16xi32> to vector<16x1xi32>
      %gather3A_1002 = vector.shape_cast %broadcast_in_dim3A_1001 : vector<16x1xi32> to vector<16xi32>
      %gather3A_1003 = tpu.dynamic_gather %get3A_988[%gather3A_1002] in [0] : vector<16xf32>, vector<16xi32> -> vector<16xf32>
      %mul3A_1004 = arith.mulf %gather3A_1003, %get3A_993 : vector<16xf32>
      %add3A_1005 = arith.addf %add3A_983, %mul3A_1004 : vector<16xf32>
      %get3A_1006 = arith.constant 42 : i32
      %get3A_1007 = arith.index_cast %get3A_1006 : i32 to index
      %get3A_1008 = arith.index_cast %min3A_77 : i32 to index
      %get3A_1009 = tpu.vector_load %arg9[%get3A_1007, %get3A_1008] {strides = array<i32>} : memref<64x128xf32, #tpu.memory_space<vmem>>, vector<1x16xf32>,
      %get3A_1010 = vector.shape_cast %get3A_1009 : vector<1x16xf32> to vector<16xf32>
      %get3A_1011 = arith.constant 42 : i32
      %get3A_1012 = arith.index_cast %get3A_1011 : i32 to index
      %get3A_1013 = arith.index_cast %min3A_79 : i32 to index
      %get3A_1014 = tpu.vector_load %arg10[%get3A_1012, %get3A_1013] {strides = array<i32>} : memref<64x128xf32, #tpu.memory_space<vmem>>, vector<1x16xf32>,
      %get3A_1015 = vector.shape_cast %get3A_1014 : vector<1x16xf32> to vector<16xf32>
      %lt3A_1016 = arith.constant 0 : i32
      %lt3A_1017 = vector.broadcast %lt3A_1016 : i32 to vector<16xi32>
      %lt3A_1018 = arith.cmpi slt, %broadcast_in_dim3A, %lt3A_1017 : vector<16xi32>
      %add3A_1019 = arith.constant 16 : i32
      %add3A_1020 = vector.broadcast %add3A_1019 : i32 to vector<16xi32>
      %add3A_1021 = arith.addi %broadcast_in_dim3A, %add3A_1020 : vector<16xi32>
      %select_n3A_1022 = arith.select %lt3A_1018, %add3A_1021, %broadcast_in_dim3A : vector<16xi1>, vector<16xi32>
      %broadcast_in_dim3A_1023 = vector.shape_cast %select_n3A_1022 : vector<16xi32> to vector<16x1xi32>
      %gather3A_1024 = vector.shape_cast %broadcast_in_dim3A_1023 : vector<16x1xi32> to vector<16xi32>
      %gather3A_1025 = tpu.dynamic_gather %get3A_1010[%gather3A_1024] in [0] : vector<16xf32>, vector<16xi32> -> vector<16xf32>
      %mul3A_1026 = arith.mulf %gather3A_1025, %get3A_1015 : vector<16xf32>
      %add3A_1027 = arith.addf %add3A_1005, %mul3A_1026 : vector<16xf32>
      %get3A_1028 = arith.constant 43 : i32
      %get3A_1029 = arith.index_cast %get3A_1028 : i32 to index
      %get3A_1030 = arith.index_cast %min3A_77 : i32 to index
      %get3A_1031 = tpu.vector_load %arg9[%get3A_1029, %get3A_1030] {strides = array<i32>} : memref<64x128xf32, #tpu.memory_space<vmem>>, vector<1x16xf32>,
      %get3A_1032 = vector.shape_cast %get3A_1031 : vector<1x16xf32> to vector<16xf32>
      %get3A_1033 = arith.constant 43 : i32
      %get3A_1034 = arith.index_cast %get3A_1033 : i32 to index
      %get3A_1035 = arith.index_cast %min3A_79 : i32 to index
      %get3A_1036 = tpu.vector_load %arg10[%get3A_1034, %get3A_1035] {strides = array<i32>} : memref<64x128xf32, #tpu.memory_space<vmem>>, vector<1x16xf32>,
      %get3A_1037 = vector.shape_cast %get3A_1036 : vector<1x16xf32> to vector<16xf32>
      %lt3A_1038 = arith.constant 0 : i32
      %lt3A_1039 = vector.broadcast %lt3A_1038 : i32 to vector<16xi32>
      %lt3A_1040 = arith.cmpi slt, %broadcast_in_dim3A, %lt3A_1039 : vector<16xi32>
      %add3A_1041 = arith.constant 16 : i32
      %add3A_1042 = vector.broadcast %add3A_1041 : i32 to vector<16xi32>
      %add3A_1043 = arith.addi %broadcast_in_dim3A, %add3A_1042 : vector<16xi32>
      %select_n3A_1044 = arith.select %lt3A_1040, %add3A_1043, %broadcast_in_dim3A : vector<16xi1>, vector<16xi32>
      %broadcast_in_dim3A_1045 = vector.shape_cast %select_n3A_1044 : vector<16xi32> to vector<16x1xi32>
      %gather3A_1046 = vector.shape_cast %broadcast_in_dim3A_1045 : vector<16x1xi32> to vector<16xi32>
      %gather3A_1047 = tpu.dynamic_gather %get3A_1032[%gather3A_1046] in [0] : vector<16xf32>, vector<16xi32> -> vector<16xf32>
      %mul3A_1048 = arith.mulf %gather3A_1047, %get3A_1037 : vector<16xf32>
      %add3A_1049 = arith.addf %add3A_1027, %mul3A_1048 : vector<16xf32>
      %get3A_1050 = arith.constant 44 : i32
      %get3A_1051 = arith.index_cast %get3A_1050 : i32 to index
      %get3A_1052 = arith.index_cast %min3A_77 : i32 to index
      %get3A_1053 = tpu.vector_load %arg9[%get3A_1051, %get3A_1052] {strides = array<i32>} : memref<64x128xf32, #tpu.memory_space<vmem>>, vector<1x16xf32>,
      %get3A_1054 = vector.shape_cast %get3A_1053 : vector<1x16xf32> to vector<16xf32>
      %get3A_1055 = arith.constant 44 : i32
      %get3A_1056 = arith.index_cast %get3A_1055 : i32 to index
      %get3A_1057 = arith.index_cast %min3A_79 : i32 to index
      %get3A_1058 = tpu.vector_load %arg10[%get3A_1056, %get3A_1057] {strides = array<i32>} : memref<64x128xf32, #tpu.memory_space<vmem>>, vector<1x16xf32>,
      %get3A_1059 = vector.shape_cast %get3A_1058 : vector<1x16xf32> to vector<16xf32>
      %lt3A_1060 = arith.constant 0 : i32
      %lt3A_1061 = vector.broadcast %lt3A_1060 : i32 to vector<16xi32>
      %lt3A_1062 = arith.cmpi slt, %broadcast_in_dim3A, %lt3A_1061 : vector<16xi32>
      %add3A_1063 = arith.constant 16 : i32
      %add3A_1064 = vector.broadcast %add3A_1063 : i32 to vector<16xi32>
      %add3A_1065 = arith.addi %broadcast_in_dim3A, %add3A_1064 : vector<16xi32>
      %select_n3A_1066 = arith.select %lt3A_1062, %add3A_1065, %broadcast_in_dim3A : vector<16xi1>, vector<16xi32>
      %broadcast_in_dim3A_1067 = vector.shape_cast %select_n3A_1066 : vector<16xi32> to vector<16x1xi32>
      %gather3A_1068 = vector.shape_cast %broadcast_in_dim3A_1067 : vector<16x1xi32> to vector<16xi32>
      %gather3A_1069 = tpu.dynamic_gather %get3A_1054[%gather3A_1068] in [0] : vector<16xf32>, vector<16xi32> -> vector<16xf32>
      %mul3A_1070 = arith.mulf %gather3A_1069, %get3A_1059 : vector<16xf32>
      %add3A_1071 = arith.addf %add3A_1049, %mul3A_1070 : vector<16xf32>
      %get3A_1072 = arith.constant 45 : i32
      %get3A_1073 = arith.index_cast %get3A_1072 : i32 to index
      %get3A_1074 = arith.index_cast %min3A_77 : i32 to index
      %get3A_1075 = tpu.vector_load %arg9[%get3A_1073, %get3A_1074] {strides = array<i32>} : memref<64x128xf32, #tpu.memory_space<vmem>>, vector<1x16xf32>,
      %get3A_1076 = vector.shape_cast %get3A_1075 : vector<1x16xf32> to vector<16xf32>
      %get3A_1077 = arith.constant 45 : i32
      %get3A_1078 = arith.index_cast %get3A_1077 : i32 to index
      %get3A_1079 = arith.index_cast %min3A_79 : i32 to index
      %get3A_1080 = tpu.vector_load %arg10[%get3A_1078, %get3A_1079] {strides = array<i32>} : memref<64x128xf32, #tpu.memory_space<vmem>>, vector<1x16xf32>,
      %get3A_1081 = vector.shape_cast %get3A_1080 : vector<1x16xf32> to vector<16xf32>
      %lt3A_1082 = arith.constant 0 : i32
      %lt3A_1083 = vector.broadcast %lt3A_1082 : i32 to vector<16xi32>
      %lt3A_1084 = arith.cmpi slt, %broadcast_in_dim3A, %lt3A_1083 : vector<16xi32>
      %add3A_1085 = arith.constant 16 : i32
      %add3A_1086 = vector.broadcast %add3A_1085 : i32 to vector<16xi32>
      %add3A_1087 = arith.addi %broadcast_in_dim3A, %add3A_1086 : vector<16xi32>
      %select_n3A_1088 = arith.select %lt3A_1084, %add3A_1087, %broadcast_in_dim3A : vector<16xi1>, vector<16xi32>
      %broadcast_in_dim3A_1089 = vector.shape_cast %select_n3A_1088 : vector<16xi32> to vector<16x1xi32>
      %gather3A_1090 = vector.shape_cast %broadcast_in_dim3A_1089 : vector<16x1xi32> to vector<16xi32>
      %gather3A_1091 = tpu.dynamic_gather %get3A_1076[%gather3A_1090] in [0] : vector<16xf32>, vector<16xi32> -> vector<16xf32>
      %mul3A_1092 = arith.mulf %gather3A_1091, %get3A_1081 : vector<16xf32>
      %add3A_1093 = arith.addf %add3A_1071, %mul3A_1092 : vector<16xf32>
      %get3A_1094 = arith.constant 46 : i32
      %get3A_1095 = arith.index_cast %get3A_1094 : i32 to index
      %get3A_1096 = arith.index_cast %min3A_77 : i32 to index
      %get3A_1097 = tpu.vector_load %arg9[%get3A_1095, %get3A_1096] {strides = array<i32>} : memref<64x128xf32, #tpu.memory_space<vmem>>, vector<1x16xf32>,
      %get3A_1098 = vector.shape_cast %get3A_1097 : vector<1x16xf32> to vector<16xf32>
      %get3A_1099 = arith.constant 46 : i32
      %get3A_1100 = arith.index_cast %get3A_1099 : i32 to index
      %get3A_1101 = arith.index_cast %min3A_79 : i32 to index
      %get3A_1102 = tpu.vector_load %arg10[%get3A_1100, %get3A_1101] {strides = array<i32>} : memref<64x128xf32, #tpu.memory_space<vmem>>, vector<1x16xf32>,
      %get3A_1103 = vector.shape_cast %get3A_1102 : vector<1x16xf32> to vector<16xf32>
      %lt3A_1104 = arith.constant 0 : i32
      %lt3A_1105 = vector.broadcast %lt3A_1104 : i32 to vector<16xi32>
      %lt3A_1106 = arith.cmpi slt, %broadcast_in_dim3A, %lt3A_1105 : vector<16xi32>
      %add3A_1107 = arith.constant 16 : i32
      %add3A_1108 = vector.broadcast %add3A_1107 : i32 to vector<16xi32>
      %add3A_1109 = arith.addi %broadcast_in_dim3A, %add3A_1108 : vector<16xi32>
      %select_n3A_1110 = arith.select %lt3A_1106, %add3A_1109, %broadcast_in_dim3A : vector<16xi1>, vector<16xi32>
      %broadcast_in_dim3A_1111 = vector.shape_cast %select_n3A_1110 : vector<16xi32> to vector<16x1xi32>
      %gather3A_1112 = vector.shape_cast %broadcast_in_dim3A_1111 : vector<16x1xi32> to vector<16xi32>
      %gather3A_1113 = tpu.dynamic_gather %get3A_1098[%gather3A_1112] in [0] : vector<16xf32>, vector<16xi32> -> vector<16xf32>
      %mul3A_1114 = arith.mulf %gather3A_1113, %get3A_1103 : vector<16xf32>
      %add3A_1115 = arith.addf %add3A_1093, %mul3A_1114 : vector<16xf32>
      %get3A_1116 = arith.constant 47 : i32
      %get3A_1117 = arith.index_cast %get3A_1116 : i32 to index
      %get3A_1118 = arith.index_cast %min3A_77 : i32 to index
      %get3A_1119 = tpu.vector_load %arg9[%get3A_1117, %get3A_1118] {strides = array<i32>} : memref<64x128xf32, #tpu.memory_space<vmem>>, vector<1x16xf32>,
      %get3A_1120 = vector.shape_cast %get3A_1119 : vector<1x16xf32> to vector<16xf32>
      %get3A_1121 = arith.constant 47 : i32
      %get3A_1122 = arith.index_cast %get3A_1121 : i32 to index
      %get3A_1123 = arith.index_cast %min3A_79 : i32 to index
      %get3A_1124 = tpu.vector_load %arg10[%get3A_1122, %get3A_1123] {strides = array<i32>} : memref<64x128xf32, #tpu.memory_space<vmem>>, vector<1x16xf32>,
      %get3A_1125 = vector.shape_cast %get3A_1124 : vector<1x16xf32> to vector<16xf32>
      %lt3A_1126 = arith.constant 0 : i32
      %lt3A_1127 = vector.broadcast %lt3A_1126 : i32 to vector<16xi32>
      %lt3A_1128 = arith.cmpi slt, %broadcast_in_dim3A, %lt3A_1127 : vector<16xi32>
      %add3A_1129 = arith.constant 16 : i32
      %add3A_1130 = vector.broadcast %add3A_1129 : i32 to vector<16xi32>
      %add3A_1131 = arith.addi %broadcast_in_dim3A, %add3A_1130 : vector<16xi32>
      %select_n3A_1132 = arith.select %lt3A_1128, %add3A_1131, %broadcast_in_dim3A : vector<16xi1>, vector<16xi32>
      %broadcast_in_dim3A_1133 = vector.shape_cast %select_n3A_1132 : vector<16xi32> to vector<16x1xi32>
      %gather3A_1134 = vector.shape_cast %broadcast_in_dim3A_1133 : vector<16x1xi32> to vector<16xi32>
      %gather3A_1135 = tpu.dynamic_gather %get3A_1120[%gather3A_1134] in [0] : vector<16xf32>, vector<16xi32> -> vector<16xf32>
      %mul3A_1136 = arith.mulf %gather3A_1135, %get3A_1125 : vector<16xf32>
      %add3A_1137 = arith.addf %add3A_1115, %mul3A_1136 : vector<16xf32>
      %get3A_1138 = arith.constant 48 : i32
      %get3A_1139 = arith.index_cast %get3A_1138 : i32 to index
      %get3A_1140 = arith.index_cast %min3A_77 : i32 to index
      %get3A_1141 = tpu.vector_load %arg9[%get3A_1139, %get3A_1140] {strides = array<i32>} : memref<64x128xf32, #tpu.memory_space<vmem>>, vector<1x16xf32>,
      %get3A_1142 = vector.shape_cast %get3A_1141 : vector<1x16xf32> to vector<16xf32>
      %get3A_1143 = arith.constant 48 : i32
      %get3A_1144 = arith.index_cast %get3A_1143 : i32 to index
      %get3A_1145 = arith.index_cast %min3A_79 : i32 to index
      %get3A_1146 = tpu.vector_load %arg10[%get3A_1144, %get3A_1145] {strides = array<i32>} : memref<64x128xf32, #tpu.memory_space<vmem>>, vector<1x16xf32>,
      %get3A_1147 = vector.shape_cast %get3A_1146 : vector<1x16xf32> to vector<16xf32>
      %lt3A_1148 = arith.constant 0 : i32
      %lt3A_1149 = vector.broadcast %lt3A_1148 : i32 to vector<16xi32>
      %lt3A_1150 = arith.cmpi slt, %broadcast_in_dim3A, %lt3A_1149 : vector<16xi32>
      %add3A_1151 = arith.constant 16 : i32
      %add3A_1152 = vector.broadcast %add3A_1151 : i32 to vector<16xi32>
      %add3A_1153 = arith.addi %broadcast_in_dim3A, %add3A_1152 : vector<16xi32>
      %select_n3A_1154 = arith.select %lt3A_1150, %add3A_1153, %broadcast_in_dim3A : vector<16xi1>, vector<16xi32>
      %broadcast_in_dim3A_1155 = vector.shape_cast %select_n3A_1154 : vector<16xi32> to vector<16x1xi32>
      %gather3A_1156 = vector.shape_cast %broadcast_in_dim3A_1155 : vector<16x1xi32> to vector<16xi32>
      %gather3A_1157 = tpu.dynamic_gather %get3A_1142[%gather3A_1156] in [0] : vector<16xf32>, vector<16xi32> -> vector<16xf32>
      %mul3A_1158 = arith.mulf %gather3A_1157, %get3A_1147 : vector<16xf32>
      %add3A_1159 = arith.addf %add3A_1137, %mul3A_1158 : vector<16xf32>
      %get3A_1160 = arith.constant 49 : i32
      %get3A_1161 = arith.index_cast %get3A_1160 : i32 to index
      %get3A_1162 = arith.index_cast %min3A_77 : i32 to index
      %get3A_1163 = tpu.vector_load %arg9[%get3A_1161, %get3A_1162] {strides = array<i32>} : memref<64x128xf32, #tpu.memory_space<vmem>>, vector<1x16xf32>,
      %get3A_1164 = vector.shape_cast %get3A_1163 : vector<1x16xf32> to vector<16xf32>
      %get3A_1165 = arith.constant 49 : i32
      %get3A_1166 = arith.index_cast %get3A_1165 : i32 to index
      %get3A_1167 = arith.index_cast %min3A_79 : i32 to index
      %get3A_1168 = tpu.vector_load %arg10[%get3A_1166, %get3A_1167] {strides = array<i32>} : memref<64x128xf32, #tpu.memory_space<vmem>>, vector<1x16xf32>,
      %get3A_1169 = vector.shape_cast %get3A_1168 : vector<1x16xf32> to vector<16xf32>
      %lt3A_1170 = arith.constant 0 : i32
      %lt3A_1171 = vector.broadcast %lt3A_1170 : i32 to vector<16xi32>
      %lt3A_1172 = arith.cmpi slt, %broadcast_in_dim3A, %lt3A_1171 : vector<16xi32>
      %add3A_1173 = arith.constant 16 : i32
      %add3A_1174 = vector.broadcast %add3A_1173 : i32 to vector<16xi32>
      %add3A_1175 = arith.addi %broadcast_in_dim3A, %add3A_1174 : vector<16xi32>
      %select_n3A_1176 = arith.select %lt3A_1172, %add3A_1175, %broadcast_in_dim3A : vector<16xi1>, vector<16xi32>
      %broadcast_in_dim3A_1177 = vector.shape_cast %select_n3A_1176 : vector<16xi32> to vector<16x1xi32>
      %gather3A_1178 = vector.shape_cast %broadcast_in_dim3A_1177 : vector<16x1xi32> to vector<16xi32>
      %gather3A_1179 = tpu.dynamic_gather %get3A_1164[%gather3A_1178] in [0] : vector<16xf32>, vector<16xi32> -> vector<16xf32>
      %mul3A_1180 = arith.mulf %gather3A_1179, %get3A_1169 : vector<16xf32>
      %add3A_1181 = arith.addf %add3A_1159, %mul3A_1180 : vector<16xf32>
      %get3A_1182 = arith.constant 50 : i32
      %get3A_1183 = arith.index_cast %get3A_1182 : i32 to index
      %get3A_1184 = arith.index_cast %min3A_77 : i32 to index
      %get3A_1185 = tpu.vector_load %arg9[%get3A_1183, %get3A_1184] {strides = array<i32>} : memref<64x128xf32, #tpu.memory_space<vmem>>, vector<1x16xf32>,
      %get3A_1186 = vector.shape_cast %get3A_1185 : vector<1x16xf32> to vector<16xf32>
      %get3A_1187 = arith.constant 50 : i32
      %get3A_1188 = arith.index_cast %get3A_1187 : i32 to index
      %get3A_1189 = arith.index_cast %min3A_79 : i32 to index
      %get3A_1190 = tpu.vector_load %arg10[%get3A_1188, %get3A_1189] {strides = array<i32>} : memref<64x128xf32, #tpu.memory_space<vmem>>, vector<1x16xf32>,
      %get3A_1191 = vector.shape_cast %get3A_1190 : vector<1x16xf32> to vector<16xf32>
      %lt3A_1192 = arith.constant 0 : i32
      %lt3A_1193 = vector.broadcast %lt3A_1192 : i32 to vector<16xi32>
      %lt3A_1194 = arith.cmpi slt, %broadcast_in_dim3A, %lt3A_1193 : vector<16xi32>
      %add3A_1195 = arith.constant 16 : i32
      %add3A_1196 = vector.broadcast %add3A_1195 : i32 to vector<16xi32>
      %add3A_1197 = arith.addi %broadcast_in_dim3A, %add3A_1196 : vector<16xi32>
      %select_n3A_1198 = arith.select %lt3A_1194, %add3A_1197, %broadcast_in_dim3A : vector<16xi1>, vector<16xi32>
      %broadcast_in_dim3A_1199 = vector.shape_cast %select_n3A_1198 : vector<16xi32> to vector<16x1xi32>
      %gather3A_1200 = vector.shape_cast %broadcast_in_dim3A_1199 : vector<16x1xi32> to vector<16xi32>
      %gather3A_1201 = tpu.dynamic_gather %get3A_1186[%gather3A_1200] in [0] : vector<16xf32>, vector<16xi32> -> vector<16xf32>
      %mul3A_1202 = arith.mulf %gather3A_1201, %get3A_1191 : vector<16xf32>
      %add3A_1203 = arith.addf %add3A_1181, %mul3A_1202 : vector<16xf32>
      %get3A_1204 = arith.constant 51 : i32
      %get3A_1205 = arith.index_cast %get3A_1204 : i32 to index
      %get3A_1206 = arith.index_cast %min3A_77 : i32 to index
      %get3A_1207 = tpu.vector_load %arg9[%get3A_1205, %get3A_1206] {strides = array<i32>} : memref<64x128xf32, #tpu.memory_space<vmem>>, vector<1x16xf32>,
      %get3A_1208 = vector.shape_cast %get3A_1207 : vector<1x16xf32> to vector<16xf32>
      %get3A_1209 = arith.constant 51 : i32
      %get3A_1210 = arith.index_cast %get3A_1209 : i32 to index
      %get3A_1211 = arith.index_cast %min3A_79 : i32 to index
      %get3A_1212 = tpu.vector_load %arg10[%get3A_1210, %get3A_1211] {strides = array<i32>} : memref<64x128xf32, #tpu.memory_space<vmem>>, vector<1x16xf32>,
      %get3A_1213 = vector.shape_cast %get3A_1212 : vector<1x16xf32> to vector<16xf32>
      %lt3A_1214 = arith.constant 0 : i32
      %lt3A_1215 = vector.broadcast %lt3A_1214 : i32 to vector<16xi32>
      %lt3A_1216 = arith.cmpi slt, %broadcast_in_dim3A, %lt3A_1215 : vector<16xi32>
      %add3A_1217 = arith.constant 16 : i32
      %add3A_1218 = vector.broadcast %add3A_1217 : i32 to vector<16xi32>
      %add3A_1219 = arith.addi %broadcast_in_dim3A, %add3A_1218 : vector<16xi32>
      %select_n3A_1220 = arith.select %lt3A_1216, %add3A_1219, %broadcast_in_dim3A : vector<16xi1>, vector<16xi32>
      %broadcast_in_dim3A_1221 = vector.shape_cast %select_n3A_1220 : vector<16xi32> to vector<16x1xi32>
      %gather3A_1222 = vector.shape_cast %broadcast_in_dim3A_1221 : vector<16x1xi32> to vector<16xi32>
      %gather3A_1223 = tpu.dynamic_gather %get3A_1208[%gather3A_1222] in [0] : vector<16xf32>, vector<16xi32> -> vector<16xf32>
      %mul3A_1224 = arith.mulf %gather3A_1223, %get3A_1213 : vector<16xf32>
      %add3A_1225 = arith.addf %add3A_1203, %mul3A_1224 : vector<16xf32>
      %get3A_1226 = arith.constant 52 : i32
      %get3A_1227 = arith.index_cast %get3A_1226 : i32 to index
      %get3A_1228 = arith.index_cast %min3A_77 : i32 to index
      %get3A_1229 = tpu.vector_load %arg9[%get3A_1227, %get3A_1228] {strides = array<i32>} : memref<64x128xf32, #tpu.memory_space<vmem>>, vector<1x16xf32>,
      %get3A_1230 = vector.shape_cast %get3A_1229 : vector<1x16xf32> to vector<16xf32>
      %get3A_1231 = arith.constant 52 : i32
      %get3A_1232 = arith.index_cast %get3A_1231 : i32 to index
      %get3A_1233 = arith.index_cast %min3A_79 : i32 to index
      %get3A_1234 = tpu.vector_load %arg10[%get3A_1232, %get3A_1233] {strides = array<i32>} : memref<64x128xf32, #tpu.memory_space<vmem>>, vector<1x16xf32>,
      %get3A_1235 = vector.shape_cast %get3A_1234 : vector<1x16xf32> to vector<16xf32>
      %lt3A_1236 = arith.constant 0 : i32
      %lt3A_1237 = vector.broadcast %lt3A_1236 : i32 to vector<16xi32>
      %lt3A_1238 = arith.cmpi slt, %broadcast_in_dim3A, %lt3A_1237 : vector<16xi32>
      %add3A_1239 = arith.constant 16 : i32
      %add3A_1240 = vector.broadcast %add3A_1239 : i32 to vector<16xi32>
      %add3A_1241 = arith.addi %broadcast_in_dim3A, %add3A_1240 : vector<16xi32>
      %select_n3A_1242 = arith.select %lt3A_1238, %add3A_1241, %broadcast_in_dim3A : vector<16xi1>, vector<16xi32>
      %broadcast_in_dim3A_1243 = vector.shape_cast %select_n3A_1242 : vector<16xi32> to vector<16x1xi32>
      %gather3A_1244 = vector.shape_cast %broadcast_in_dim3A_1243 : vector<16x1xi32> to vector<16xi32>
      %gather3A_1245 = tpu.dynamic_gather %get3A_1230[%gather3A_1244] in [0] : vector<16xf32>, vector<16xi32> -> vector<16xf32>
      %mul3A_1246 = arith.mulf %gather3A_1245, %get3A_1235 : vector<16xf32>
      %add3A_1247 = arith.addf %add3A_1225, %mul3A_1246 : vector<16xf32>
      %get3A_1248 = arith.constant 53 : i32
      %get3A_1249 = arith.index_cast %get3A_1248 : i32 to index
      %get3A_1250 = arith.index_cast %min3A_77 : i32 to index
      %get3A_1251 = tpu.vector_load %arg9[%get3A_1249, %get3A_1250] {strides = array<i32>} : memref<64x128xf32, #tpu.memory_space<vmem>>, vector<1x16xf32>,
      %get3A_1252 = vector.shape_cast %get3A_1251 : vector<1x16xf32> to vector<16xf32>
      %get3A_1253 = arith.constant 53 : i32
      %get3A_1254 = arith.index_cast %get3A_1253 : i32 to index
      %get3A_1255 = arith.index_cast %min3A_79 : i32 to index
      %get3A_1256 = tpu.vector_load %arg10[%get3A_1254, %get3A_1255] {strides = array<i32>} : memref<64x128xf32, #tpu.memory_space<vmem>>, vector<1x16xf32>,
      %get3A_1257 = vector.shape_cast %get3A_1256 : vector<1x16xf32> to vector<16xf32>
      %lt3A_1258 = arith.constant 0 : i32
      %lt3A_1259 = vector.broadcast %lt3A_1258 : i32 to vector<16xi32>
      %lt3A_1260 = arith.cmpi slt, %broadcast_in_dim3A, %lt3A_1259 : vector<16xi32>
      %add3A_1261 = arith.constant 16 : i32
      %add3A_1262 = vector.broadcast %add3A_1261 : i32 to vector<16xi32>
      %add3A_1263 = arith.addi %broadcast_in_dim3A, %add3A_1262 : vector<16xi32>
      %select_n3A_1264 = arith.select %lt3A_1260, %add3A_1263, %broadcast_in_dim3A : vector<16xi1>, vector<16xi32>
      %broadcast_in_dim3A_1265 = vector.shape_cast %select_n3A_1264 : vector<16xi32> to vector<16x1xi32>
      %gather3A_1266 = vector.shape_cast %broadcast_in_dim3A_1265 : vector<16x1xi32> to vector<16xi32>
      %gather3A_1267 = tpu.dynamic_gather %get3A_1252[%gather3A_1266] in [0] : vector<16xf32>, vector<16xi32> -> vector<16xf32>
      %mul3A_1268 = arith.mulf %gather3A_1267, %get3A_1257 : vector<16xf32>
      %add3A_1269 = arith.addf %add3A_1247, %mul3A_1268 : vector<16xf32>
      %get3A_1270 = arith.constant 54 : i32
      %get3A_1271 = arith.index_cast %get3A_1270 : i32 to index
      %get3A_1272 = arith.index_cast %min3A_77 : i32 to index
      %get3A_1273 = tpu.vector_load %arg9[%get3A_1271, %get3A_1272] {strides = array<i32>} : memref<64x128xf32, #tpu.memory_space<vmem>>, vector<1x16xf32>,
      %get3A_1274 = vector.shape_cast %get3A_1273 : vector<1x16xf32> to vector<16xf32>
      %get3A_1275 = arith.constant 54 : i32
      %get3A_1276 = arith.index_cast %get3A_1275 : i32 to index
      %get3A_1277 = arith.index_cast %min3A_79 : i32 to index
      %get3A_1278 = tpu.vector_load %arg10[%get3A_1276, %get3A_1277] {strides = array<i32>} : memref<64x128xf32, #tpu.memory_space<vmem>>, vector<1x16xf32>,
      %get3A_1279 = vector.shape_cast %get3A_1278 : vector<1x16xf32> to vector<16xf32>
      %lt3A_1280 = arith.constant 0 : i32
      %lt3A_1281 = vector.broadcast %lt3A_1280 : i32 to vector<16xi32>
      %lt3A_1282 = arith.cmpi slt, %broadcast_in_dim3A, %lt3A_1281 : vector<16xi32>
      %add3A_1283 = arith.constant 16 : i32
      %add3A_1284 = vector.broadcast %add3A_1283 : i32 to vector<16xi32>
      %add3A_1285 = arith.addi %broadcast_in_dim3A, %add3A_1284 : vector<16xi32>
      %select_n3A_1286 = arith.select %lt3A_1282, %add3A_1285, %broadcast_in_dim3A : vector<16xi1>, vector<16xi32>
      %broadcast_in_dim3A_1287 = vector.shape_cast %select_n3A_1286 : vector<16xi32> to vector<16x1xi32>
      %gather3A_1288 = vector.shape_cast %broadcast_in_dim3A_1287 : vector<16x1xi32> to vector<16xi32>
      %gather3A_1289 = tpu.dynamic_gather %get3A_1274[%gather3A_1288] in [0] : vector<16xf32>, vector<16xi32> -> vector<16xf32>
      %mul3A_1290 = arith.mulf %gather3A_1289, %get3A_1279 : vector<16xf32>
      %add3A_1291 = arith.addf %add3A_1269, %mul3A_1290 : vector<16xf32>
      %get3A_1292 = arith.constant 55 : i32
      %get3A_1293 = arith.index_cast %get3A_1292 : i32 to index
      %get3A_1294 = arith.index_cast %min3A_77 : i32 to index
      %get3A_1295 = tpu.vector_load %arg9[%get3A_1293, %get3A_1294] {strides = array<i32>} : memref<64x128xf32, #tpu.memory_space<vmem>>, vector<1x16xf32>,
      %get3A_1296 = vector.shape_cast %get3A_1295 : vector<1x16xf32> to vector<16xf32>
      %get3A_1297 = arith.constant 55 : i32
      %get3A_1298 = arith.index_cast %get3A_1297 : i32 to index
      %get3A_1299 = arith.index_cast %min3A_79 : i32 to index
      %get3A_1300 = tpu.vector_load %arg10[%get3A_1298, %get3A_1299] {strides = array<i32>} : memref<64x128xf32, #tpu.memory_space<vmem>>, vector<1x16xf32>,
      %get3A_1301 = vector.shape_cast %get3A_1300 : vector<1x16xf32> to vector<16xf32>
      %lt3A_1302 = arith.constant 0 : i32
      %lt3A_1303 = vector.broadcast %lt3A_1302 : i32 to vector<16xi32>
      %lt3A_1304 = arith.cmpi slt, %broadcast_in_dim3A, %lt3A_1303 : vector<16xi32>
      %add3A_1305 = arith.constant 16 : i32
      %add3A_1306 = vector.broadcast %add3A_1305 : i32 to vector<16xi32>
      %add3A_1307 = arith.addi %broadcast_in_dim3A, %add3A_1306 : vector<16xi32>
      %select_n3A_1308 = arith.select %lt3A_1304, %add3A_1307, %broadcast_in_dim3A : vector<16xi1>, vector<16xi32>
      %broadcast_in_dim3A_1309 = vector.shape_cast %select_n3A_1308 : vector<16xi32> to vector<16x1xi32>
      %gather3A_1310 = vector.shape_cast %broadcast_in_dim3A_1309 : vector<16x1xi32> to vector<16xi32>
      %gather3A_1311 = tpu.dynamic_gather %get3A_1296[%gather3A_1310] in [0] : vector<16xf32>, vector<16xi32> -> vector<16xf32>
      %mul3A_1312 = arith.mulf %gather3A_1311, %get3A_1301 : vector<16xf32>
      %add3A_1313 = arith.addf %add3A_1291, %mul3A_1312 : vector<16xf32>
      %get3A_1314 = arith.constant 56 : i32
      %get3A_1315 = arith.index_cast %get3A_1314 : i32 to index
      %get3A_1316 = arith.index_cast %min3A_77 : i32 to index
      %get3A_1317 = tpu.vector_load %arg9[%get3A_1315, %get3A_1316] {strides = array<i32>} : memref<64x128xf32, #tpu.memory_space<vmem>>, vector<1x16xf32>,
      %get3A_1318 = vector.shape_cast %get3A_1317 : vector<1x16xf32> to vector<16xf32>
      %get3A_1319 = arith.constant 56 : i32
      %get3A_1320 = arith.index_cast %get3A_1319 : i32 to index
      %get3A_1321 = arith.index_cast %min3A_79 : i32 to index
      %get3A_1322 = tpu.vector_load %arg10[%get3A_1320, %get3A_1321] {strides = array<i32>} : memref<64x128xf32, #tpu.memory_space<vmem>>, vector<1x16xf32>,
      %get3A_1323 = vector.shape_cast %get3A_1322 : vector<1x16xf32> to vector<16xf32>
      %lt3A_1324 = arith.constant 0 : i32
      %lt3A_1325 = vector.broadcast %lt3A_1324 : i32 to vector<16xi32>
      %lt3A_1326 = arith.cmpi slt, %broadcast_in_dim3A, %lt3A_1325 : vector<16xi32>
      %add3A_1327 = arith.constant 16 : i32
      %add3A_1328 = vector.broadcast %add3A_1327 : i32 to vector<16xi32>
      %add3A_1329 = arith.addi %broadcast_in_dim3A, %add3A_1328 : vector<16xi32>
      %select_n3A_1330 = arith.select %lt3A_1326, %add3A_1329, %broadcast_in_dim3A : vector<16xi1>, vector<16xi32>
      %broadcast_in_dim3A_1331 = vector.shape_cast %select_n3A_1330 : vector<16xi32> to vector<16x1xi32>
      %gather3A_1332 = vector.shape_cast %broadcast_in_dim3A_1331 : vector<16x1xi32> to vector<16xi32>
      %gather3A_1333 = tpu.dynamic_gather %get3A_1318[%gather3A_1332] in [0] : vector<16xf32>, vector<16xi32> -> vector<16xf32>
      %mul3A_1334 = arith.mulf %gather3A_1333, %get3A_1323 : vector<16xf32>
      %add3A_1335 = arith.addf %add3A_1313, %mul3A_1334 : vector<16xf32>
      %get3A_1336 = arith.constant 57 : i32
      %get3A_1337 = arith.index_cast %get3A_1336 : i32 to index
      %get3A_1338 = arith.index_cast %min3A_77 : i32 to index
      %get3A_1339 = tpu.vector_load %arg9[%get3A_1337, %get3A_1338] {strides = array<i32>} : memref<64x128xf32, #tpu.memory_space<vmem>>, vector<1x16xf32>,
      %get3A_1340 = vector.shape_cast %get3A_1339 : vector<1x16xf32> to vector<16xf32>
      %get3A_1341 = arith.constant 57 : i32
      %get3A_1342 = arith.index_cast %get3A_1341 : i32 to index
      %get3A_1343 = arith.index_cast %min3A_79 : i32 to index
      %get3A_1344 = tpu.vector_load %arg10[%get3A_1342, %get3A_1343] {strides = array<i32>} : memref<64x128xf32, #tpu.memory_space<vmem>>, vector<1x16xf32>,
      %get3A_1345 = vector.shape_cast %get3A_1344 : vector<1x16xf32> to vector<16xf32>
      %lt3A_1346 = arith.constant 0 : i32
      %lt3A_1347 = vector.broadcast %lt3A_1346 : i32 to vector<16xi32>
      %lt3A_1348 = arith.cmpi slt, %broadcast_in_dim3A, %lt3A_1347 : vector<16xi32>
      %add3A_1349 = arith.constant 16 : i32
      %add3A_1350 = vector.broadcast %add3A_1349 : i32 to vector<16xi32>
      %add3A_1351 = arith.addi %broadcast_in_dim3A, %add3A_1350 : vector<16xi32>
      %select_n3A_1352 = arith.select %lt3A_1348, %add3A_1351, %broadcast_in_dim3A : vector<16xi1>, vector<16xi32>
      %broadcast_in_dim3A_1353 = vector.shape_cast %select_n3A_1352 : vector<16xi32> to vector<16x1xi32>
      %gather3A_1354 = vector.shape_cast %broadcast_in_dim3A_1353 : vector<16x1xi32> to vector<16xi32>
      %gather3A_1355 = tpu.dynamic_gather %get3A_1340[%gather3A_1354] in [0] : vector<16xf32>, vector<16xi32> -> vector<16xf32>
      %mul3A_1356 = arith.mulf %gather3A_1355, %get3A_1345 : vector<16xf32>
      %add3A_1357 = arith.addf %add3A_1335, %mul3A_1356 : vector<16xf32>
      %get3A_1358 = arith.constant 58 : i32
      %get3A_1359 = arith.index_cast %get3A_1358 : i32 to index
      %get3A_1360 = arith.index_cast %min3A_77 : i32 to index
      %get3A_1361 = tpu.vector_load %arg9[%get3A_1359, %get3A_1360] {strides = array<i32>} : memref<64x128xf32, #tpu.memory_space<vmem>>, vector<1x16xf32>,
      %get3A_1362 = vector.shape_cast %get3A_1361 : vector<1x16xf32> to vector<16xf32>
      %get3A_1363 = arith.constant 58 : i32
      %get3A_1364 = arith.index_cast %get3A_1363 : i32 to index
      %get3A_1365 = arith.index_cast %min3A_79 : i32 to index
      %get3A_1366 = tpu.vector_load %arg10[%get3A_1364, %get3A_1365] {strides = array<i32>} : memref<64x128xf32, #tpu.memory_space<vmem>>, vector<1x16xf32>,
      %get3A_1367 = vector.shape_cast %get3A_1366 : vector<1x16xf32> to vector<16xf32>
      %lt3A_1368 = arith.constant 0 : i32
      %lt3A_1369 = vector.broadcast %lt3A_1368 : i32 to vector<16xi32>
      %lt3A_1370 = arith.cmpi slt, %broadcast_in_dim3A, %lt3A_1369 : vector<16xi32>
      %add3A_1371 = arith.constant 16 : i32
      %add3A_1372 = vector.broadcast %add3A_1371 : i32 to vector<16xi32>
      %add3A_1373 = arith.addi %broadcast_in_dim3A, %add3A_1372 : vector<16xi32>
      %select_n3A_1374 = arith.select %lt3A_1370, %add3A_1373, %broadcast_in_dim3A : vector<16xi1>, vector<16xi32>
      %broadcast_in_dim3A_1375 = vector.shape_cast %select_n3A_1374 : vector<16xi32> to vector<16x1xi32>
      %gather3A_1376 = vector.shape_cast %broadcast_in_dim3A_1375 : vector<16x1xi32> to vector<16xi32>
      %gather3A_1377 = tpu.dynamic_gather %get3A_1362[%gather3A_1376] in [0] : vector<16xf32>, vector<16xi32> -> vector<16xf32>
      %mul3A_1378 = arith.mulf %gather3A_1377, %get3A_1367 : vector<16xf32>
      %add3A_1379 = arith.addf %add3A_1357, %mul3A_1378 : vector<16xf32>
      %get3A_1380 = arith.constant 59 : i32
      %get3A_1381 = arith.index_cast %get3A_1380 : i32 to index
      %get3A_1382 = arith.index_cast %min3A_77 : i32 to index
      %get3A_1383 = tpu.vector_load %arg9[%get3A_1381, %get3A_1382] {strides = array<i32>} : memref<64x128xf32, #tpu.memory_space<vmem>>, vector<1x16xf32>,
      %get3A_1384 = vector.shape_cast %get3A_1383 : vector<1x16xf32> to vector<16xf32>
      %get3A_1385 = arith.constant 59 : i32
      %get3A_1386 = arith.index_cast %get3A_1385 : i32 to index
      %get3A_1387 = arith.index_cast %min3A_79 : i32 to index
      %get3A_1388 = tpu.vector_load %arg10[%get3A_1386, %get3A_1387] {strides = array<i32>} : memref<64x128xf32, #tpu.memory_space<vmem>>, vector<1x16xf32>,
      %get3A_1389 = vector.shape_cast %get3A_1388 : vector<1x16xf32> to vector<16xf32>
      %lt3A_1390 = arith.constant 0 : i32
      %lt3A_1391 = vector.broadcast %lt3A_1390 : i32 to vector<16xi32>
      %lt3A_1392 = arith.cmpi slt, %broadcast_in_dim3A, %lt3A_1391 : vector<16xi32>
      %add3A_1393 = arith.constant 16 : i32
      %add3A_1394 = vector.broadcast %add3A_1393 : i32 to vector<16xi32>
      %add3A_1395 = arith.addi %broadcast_in_dim3A, %add3A_1394 : vector<16xi32>
      %select_n3A_1396 = arith.select %lt3A_1392, %add3A_1395, %broadcast_in_dim3A : vector<16xi1>, vector<16xi32>
      %broadcast_in_dim3A_1397 = vector.shape_cast %select_n3A_1396 : vector<16xi32> to vector<16x1xi32>
      %gather3A_1398 = vector.shape_cast %broadcast_in_dim3A_1397 : vector<16x1xi32> to vector<16xi32>
      %gather3A_1399 = tpu.dynamic_gather %get3A_1384[%gather3A_1398] in [0] : vector<16xf32>, vector<16xi32> -> vector<16xf32>
      %mul3A_1400 = arith.mulf %gather3A_1399, %get3A_1389 : vector<16xf32>
      %add3A_1401 = arith.addf %add3A_1379, %mul3A_1400 : vector<16xf32>
      %get3A_1402 = arith.constant 60 : i32
      %get3A_1403 = arith.index_cast %get3A_1402 : i32 to index
      %get3A_1404 = arith.index_cast %min3A_77 : i32 to index
      %get3A_1405 = tpu.vector_load %arg9[%get3A_1403, %get3A_1404] {strides = array<i32>} : memref<64x128xf32, #tpu.memory_space<vmem>>, vector<1x16xf32>,
      %get3A_1406 = vector.shape_cast %get3A_1405 : vector<1x16xf32> to vector<16xf32>
      %get3A_1407 = arith.constant 60 : i32
      %get3A_1408 = arith.index_cast %get3A_1407 : i32 to index
      %get3A_1409 = arith.index_cast %min3A_79 : i32 to index
      %get3A_1410 = tpu.vector_load %arg10[%get3A_1408, %get3A_1409] {strides = array<i32>} : memref<64x128xf32, #tpu.memory_space<vmem>>, vector<1x16xf32>,
      %get3A_1411 = vector.shape_cast %get3A_1410 : vector<1x16xf32> to vector<16xf32>
      %lt3A_1412 = arith.constant 0 : i32
      %lt3A_1413 = vector.broadcast %lt3A_1412 : i32 to vector<16xi32>
      %lt3A_1414 = arith.cmpi slt, %broadcast_in_dim3A, %lt3A_1413 : vector<16xi32>
      %add3A_1415 = arith.constant 16 : i32
      %add3A_1416 = vector.broadcast %add3A_1415 : i32 to vector<16xi32>
      %add3A_1417 = arith.addi %broadcast_in_dim3A, %add3A_1416 : vector<16xi32>
      %select_n3A_1418 = arith.select %lt3A_1414, %add3A_1417, %broadcast_in_dim3A : vector<16xi1>, vector<16xi32>
      %broadcast_in_dim3A_1419 = vector.shape_cast %select_n3A_1418 : vector<16xi32> to vector<16x1xi32>
      %gather3A_1420 = vector.shape_cast %broadcast_in_dim3A_1419 : vector<16x1xi32> to vector<16xi32>
      %gather3A_1421 = tpu.dynamic_gather %get3A_1406[%gather3A_1420] in [0] : vector<16xf32>, vector<16xi32> -> vector<16xf32>
      %mul3A_1422 = arith.mulf %gather3A_1421, %get3A_1411 : vector<16xf32>
      %add3A_1423 = arith.addf %add3A_1401, %mul3A_1422 : vector<16xf32>
      %get3A_1424 = arith.constant 61 : i32
      %get3A_1425 = arith.index_cast %get3A_1424 : i32 to index
      %get3A_1426 = arith.index_cast %min3A_77 : i32 to index
      %get3A_1427 = tpu.vector_load %arg9[%get3A_1425, %get3A_1426] {strides = array<i32>} : memref<64x128xf32, #tpu.memory_space<vmem>>, vector<1x16xf32>,
      %get3A_1428 = vector.shape_cast %get3A_1427 : vector<1x16xf32> to vector<16xf32>
      %get3A_1429 = arith.constant 61 : i32
      %get3A_1430 = arith.index_cast %get3A_1429 : i32 to index
      %get3A_1431 = arith.index_cast %min3A_79 : i32 to index
      %get3A_1432 = tpu.vector_load %arg10[%get3A_1430, %get3A_1431] {strides = array<i32>} : memref<64x128xf32, #tpu.memory_space<vmem>>, vector<1x16xf32>,
      %get3A_1433 = vector.shape_cast %get3A_1432 : vector<1x16xf32> to vector<16xf32>
      %lt3A_1434 = arith.constant 0 : i32
      %lt3A_1435 = vector.broadcast %lt3A_1434 : i32 to vector<16xi32>
      %lt3A_1436 = arith.cmpi slt, %broadcast_in_dim3A, %lt3A_1435 : vector<16xi32>
      %add3A_1437 = arith.constant 16 : i32
      %add3A_1438 = vector.broadcast %add3A_1437 : i32 to vector<16xi32>
      %add3A_1439 = arith.addi %broadcast_in_dim3A, %add3A_1438 : vector<16xi32>
      %select_n3A_1440 = arith.select %lt3A_1436, %add3A_1439, %broadcast_in_dim3A : vector<16xi1>, vector<16xi32>
      %broadcast_in_dim3A_1441 = vector.shape_cast %select_n3A_1440 : vector<16xi32> to vector<16x1xi32>
      %gather3A_1442 = vector.shape_cast %broadcast_in_dim3A_1441 : vector<16x1xi32> to vector<16xi32>
      %gather3A_1443 = tpu.dynamic_gather %get3A_1428[%gather3A_1442] in [0] : vector<16xf32>, vector<16xi32> -> vector<16xf32>
      %mul3A_1444 = arith.mulf %gather3A_1443, %get3A_1433 : vector<16xf32>
      %add3A_1445 = arith.addf %add3A_1423, %mul3A_1444 : vector<16xf32>
      %get3A_1446 = arith.constant 62 : i32
      %get3A_1447 = arith.index_cast %get3A_1446 : i32 to index
      %get3A_1448 = arith.index_cast %min3A_77 : i32 to index
      %get3A_1449 = tpu.vector_load %arg9[%get3A_1447, %get3A_1448] {strides = array<i32>} : memref<64x128xf32, #tpu.memory_space<vmem>>, vector<1x16xf32>,
      %get3A_1450 = vector.shape_cast %get3A_1449 : vector<1x16xf32> to vector<16xf32>
      %get3A_1451 = arith.constant 62 : i32
      %get3A_1452 = arith.index_cast %get3A_1451 : i32 to index
      %get3A_1453 = arith.index_cast %min3A_79 : i32 to index
      %get3A_1454 = tpu.vector_load %arg10[%get3A_1452, %get3A_1453] {strides = array<i32>} : memref<64x128xf32, #tpu.memory_space<vmem>>, vector<1x16xf32>,
      %get3A_1455 = vector.shape_cast %get3A_1454 : vector<1x16xf32> to vector<16xf32>
      %lt3A_1456 = arith.constant 0 : i32
      %lt3A_1457 = vector.broadcast %lt3A_1456 : i32 to vector<16xi32>
      %lt3A_1458 = arith.cmpi slt, %broadcast_in_dim3A, %lt3A_1457 : vector<16xi32>
      %add3A_1459 = arith.constant 16 : i32
      %add3A_1460 = vector.broadcast %add3A_1459 : i32 to vector<16xi32>
      %add3A_1461 = arith.addi %broadcast_in_dim3A, %add3A_1460 : vector<16xi32>
      %select_n3A_1462 = arith.select %lt3A_1458, %add3A_1461, %broadcast_in_dim3A : vector<16xi1>, vector<16xi32>
      %broadcast_in_dim3A_1463 = vector.shape_cast %select_n3A_1462 : vector<16xi32> to vector<16x1xi32>
      %gather3A_1464 = vector.shape_cast %broadcast_in_dim3A_1463 : vector<16x1xi32> to vector<16xi32>
      %gather3A_1465 = tpu.dynamic_gather %get3A_1450[%gather3A_1464] in [0] : vector<16xf32>, vector<16xi32> -> vector<16xf32>
      %mul3A_1466 = arith.mulf %gather3A_1465, %get3A_1455 : vector<16xf32>
      %add3A_1467 = arith.addf %add3A_1445, %mul3A_1466 : vector<16xf32>
      %get3A_1468 = arith.constant 63 : i32
      %get3A_1469 = arith.index_cast %get3A_1468 : i32 to index
      %get3A_1470 = arith.index_cast %min3A_77 : i32 to index
      %get3A_1471 = tpu.vector_load %arg9[%get3A_1469, %get3A_1470] {strides = array<i32>} : memref<64x128xf32, #tpu.memory_space<vmem>>, vector<1x16xf32>,
      %get3A_1472 = vector.shape_cast %get3A_1471 : vector<1x16xf32> to vector<16xf32>
      %get3A_1473 = arith.constant 63 : i32
      %get3A_1474 = arith.index_cast %get3A_1473 : i32 to index
      %get3A_1475 = arith.index_cast %min3A_79 : i32 to index
      %get3A_1476 = tpu.vector_load %arg10[%get3A_1474, %get3A_1475] {strides = array<i32>} : memref<64x128xf32, #tpu.memory_space<vmem>>, vector<1x16xf32>,
      %get3A_1477 = vector.shape_cast %get3A_1476 : vector<1x16xf32> to vector<16xf32>
      %lt3A_1478 = arith.constant 0 : i32
      %lt3A_1479 = vector.broadcast %lt3A_1478 : i32 to vector<16xi32>
      %lt3A_1480 = arith.cmpi slt, %broadcast_in_dim3A, %lt3A_1479 : vector<16xi32>
      %add3A_1481 = arith.constant 16 : i32
      %add3A_1482 = vector.broadcast %add3A_1481 : i32 to vector<16xi32>
      %add3A_1483 = arith.addi %broadcast_in_dim3A, %add3A_1482 : vector<16xi32>
      %select_n3A_1484 = arith.select %lt3A_1480, %add3A_1483, %broadcast_in_dim3A : vector<16xi1>, vector<16xi32>
      %broadcast_in_dim3A_1485 = vector.shape_cast %select_n3A_1484 : vector<16xi32> to vector<16x1xi32>
      %gather3A_1486 = vector.shape_cast %broadcast_in_dim3A_1485 : vector<16x1xi32> to vector<16xi32>
      %gather3A_1487 = tpu.dynamic_gather %get3A_1472[%gather3A_1486] in [0] : vector<16xf32>, vector<16xi32> -> vector<16xf32>
      %mul3A_1488 = arith.mulf %gather3A_1487, %get3A_1477 : vector<16xf32>
      %add3A_1489 = arith.addf %add3A_1467, %mul3A_1488 : vector<16xf32>
      %lt3A_1490 = arith.constant 0 : i32
      %lt3A_1491 = vector.broadcast %lt3A_1490 : i32 to vector<16xi32>
      %lt3A_1492 = arith.cmpi slt, %broadcast_in_dim3A_82, %lt3A_1491 : vector<16xi32>
      %add3A_1493 = arith.constant 16 : i32
      %add3A_1494 = vector.broadcast %add3A_1493 : i32 to vector<16xi32>
      %add3A_1495 = arith.addi %broadcast_in_dim3A_82, %add3A_1494 : vector<16xi32>
      %select_n3A_1496 = arith.select %lt3A_1492, %add3A_1495, %broadcast_in_dim3A_82 : vector<16xi1>, vector<16xi32>
      %broadcast_in_dim3A_1497 = vector.shape_cast %select_n3A_1496 : vector<16xi32> to vector<16x1xi32>
      %gather3A_1498 = vector.shape_cast %broadcast_in_dim3A_1497 : vector<16x1xi32> to vector<16xi32>
      %gather3A_1499 = tpu.dynamic_gather %add3A_1489[%gather3A_1498] in [0] : vector<16xf32>, vector<16xi32> -> vector<16xf32>
      %get3A_1500 = arith.index_cast %min3A_77 : i32 to index
      %get3A_1501 = tpu.vector_load %arg11[%get3A_1500] {strides = array<i32>} : memref<128xf32, #tpu.memory_space<vmem>>, vector<16xf32>,
      %get3A_1502 = vector.shape_cast %get3A_1501 : vector<16xf32> to vector<16xf32>
      %lt3A_1503 = arith.constant 0 : i32
      %lt3A_1504 = vector.broadcast %lt3A_1503 : i32 to vector<16xi32>
      %lt3A_1505 = arith.cmpi slt, %broadcast_in_dim3A, %lt3A_1504 : vector<16xi32>
      %add3A_1506 = arith.constant 16 : i32
      %add3A_1507 = vector.broadcast %add3A_1506 : i32 to vector<16xi32>
      %add3A_1508 = arith.addi %broadcast_in_dim3A, %add3A_1507 : vector<16xi32>
      %select_n3A_1509 = arith.select %lt3A_1505, %add3A_1508, %broadcast_in_dim3A : vector<16xi1>, vector<16xi32>
      %broadcast_in_dim3A_1510 = vector.shape_cast %select_n3A_1509 : vector<16xi32> to vector<16x1xi32>
      %gather3A_1511 = vector.shape_cast %broadcast_in_dim3A_1510 : vector<16x1xi32> to vector<16xi32>
      %gather3A_1512 = tpu.dynamic_gather %get3A_1502[%gather3A_1511] in [0] : vector<16xf32>, vector<16xi32> -> vector<16xf32>
      %get3A_1513 = arith.index_cast %min3A_79 : i32 to index
      %get3A_1514 = tpu.vector_load %arg12[%get3A_1513] {strides = array<i32>} : memref<128xf32, #tpu.memory_space<vmem>>, vector<16xf32>,
      %get3A_1515 = vector.shape_cast %get3A_1514 : vector<16xf32> to vector<16xf32>
      %lt3A_1516 = arith.constant 0 : i32
      %lt3A_1517 = vector.broadcast %lt3A_1516 : i32 to vector<16xi32>
      %lt3A_1518 = arith.cmpi slt, %broadcast_in_dim3A_82, %lt3A_1517 : vector<16xi32>
      %add3A_1519 = arith.constant 16 : i32
      %add3A_1520 = vector.broadcast %add3A_1519 : i32 to vector<16xi32>
      %add3A_1521 = arith.addi %broadcast_in_dim3A_82, %add3A_1520 : vector<16xi32>
      %select_n3A_1522 = arith.select %lt3A_1518, %add3A_1521, %broadcast_in_dim3A_82 : vector<16xi1>, vector<16xi32>
      %broadcast_in_dim3A_1523 = vector.shape_cast %select_n3A_1522 : vector<16xi32> to vector<16x1xi32>
      %gather3A_1524 = vector.shape_cast %broadcast_in_dim3A_1523 : vector<16x1xi32> to vector<16xi32>
      %gather3A_1525 = tpu.dynamic_gather %get3A_1515[%gather3A_1524] in [0] : vector<16xf32>, vector<16xi32> -> vector<16xf32>
      %add3A_1526 = arith.addf %gather3A_1499, %gather3A_1512 : vector<16xf32>
      %add3A_1527 = arith.addf %add3A_1526, %gather3A_1525 : vector<16xf32>
      %swap3A = arith.constant 0 : index
      %swap3A_1528 = tpu.vector_load %arg13[%swap3A] {strides = array<i32>} : memref<16xf32, #tpu.memory_space<vmem>>, vector<16xf32>,
      %swap3A_1529 = vector.shape_cast %swap3A_1528 : vector<16xf32> to vector<16xf32>
      %swap3A_1530 = vector.shape_cast %add3A_1527 : vector<16xf32> to vector<16xf32>
      tpu.vector_store %arg13[%swap3A], %swap3A_1530 {strides = array<i32>} : memref<16xf32, #tpu.memory_space<vmem>>, vector<16xf32>,
      "tpu.region"() ({
        %run_scoped3A = tpu.sem_alloc : memref<!tpu.dma_semaphore, #tpu.memory_space<semaphore_mem>>
        %dma_start3A_1531 = arith.constant 0 : i32
        %dma_start3A_1532 = tpu.memref_slice %arg13[%dma_start3A_1531] : memref<16xf32, #tpu.memory_space<vmem>> -> memref<1xf32, #tpu.memory_space<vmem>>
        %dma_start3A_1533 = arith.constant 0 : i32
        %dma_start3A_1534 = tpu.memref_slice %arg13[%dma_start3A_1533] : memref<16xf32, #tpu.memory_space<vmem>> -> memref<1xf32, #tpu.memory_space<vmem>>
        tpu.enqueue_dma source(%dma_start3A_1534 : memref<1xf32, #tpu.memory_space<vmem>>) target(%arg7 : memref<1xf32, #tpu.memory_space<hbm>>) target_semaphore(%run_scoped3A : memref<!tpu.dma_semaphore, #tpu.memory_space<semaphore_mem>>)
        %dma_wait3A_1535 = arith.constant 0 : i32
        %dma_wait3A_1536 = tpu.memref_slice %arg13[%dma_wait3A_1535] : memref<16xf32, #tpu.memory_space<vmem>> -> memref<1xf32, #tpu.memory_space<vmem>>
        %dma_wait3A_1537 = arith.constant 0 : i32
        %dma_wait3A_1538 = tpu.memref_slice %arg13[%dma_wait3A_1537] : memref<16xf32, #tpu.memory_space<vmem>> -> memref<1xf32, #tpu.memory_space<vmem>>
        tpu.wait_dma2 semaphore(%run_scoped3A : memref<!tpu.dma_semaphore, #tpu.memory_space<semaphore_mem>>) src(%dma_wait3A_1538 : memref<1xf32, #tpu.memory_space<vmem>>) dst(%arg7 : memref<1xf32, #tpu.memory_space<hbm>>)
        tpu.yield
      }) : () -> ()
    } else {
    }
    return
  }
}

</mosaic_0001>

<sc_bundles>
// kernel: kernel.3.cloned.1.call-start
scs
__scs_entry_jumppad:
0x0: {  	(pc) =	sbr.rel $0x88, $3  }
0x1: {  	(tag) =	ssettag $0x0;
	lr =	simm.s32 $0x1  }
0x2: {  	[smem:$0x3F9B] =	sst lr;
	_ =	strace $0xD0000000  }
0x3: {  	_ = 	snop  }
0x4: {  	_ = 	snop  }
0x5: {  	_ = 	snop  }
0x6: {  	_ = 	snop  }
0x7: {  	_ = 	snop  }
__scs_overlays_trampoline_lowered:
0x8: {  	[smem:$0x3FAA] =	sst s0  }
0x9: {  	[smem:$0x3FAB] =	sst s1  }
0xa: {  	[smem:$0x3FAC] =	sst s2  }
0xb: {  	[smem:$0x3FAD] =	sst s3  }
0xc: {  	[smem:$0x3FAE] =	sst s4  }
0xd: {  	[smem:$0x3FAF] =	sst s5  }
0xe: {  	[smem:$0x3FB0] =	sst s6  }
0xf: {  	[smem:$0x3FB1] =	sst s7  }
0x10: {  	[smem:$0x3FB2] =	sst s8  }
0x11: {  	[smem:$0x3FB3] =	sst s9;
	s0 =	simm.s32 @!p0 $0x0  }
0x12: {  	s1 =	sld [smem:$0x3F99];
	s0 =	simm.s32 @p0 $0x1  }
0x13: {  	[smem:$0x3FB4] =	sst s0;
	s0 =	simm.s32 @!p1 $0x0  }
0x14: {  	s2 =	sld [smem:$0x3F98];
	s0 =	simm.s32 @p1 $0x1  }
0x15: {  	[smem:$0x3FB5] =	sst s0;
	s0 =	simm.s32 @!p2 $0x0  }
0x16: {  	s3 =	sld [smem:$0x3FDB];
	s0 =	simm.s32 @p2 $0x1  }
0x17: {  	s4 =	simm.s32 $0x1BF5;
	[smem:$0x3FB7] =	sst s0  }
0x18: {  	s0 =	sld [smem:$0x3F9A];
	_ =	swait.ge [sflag:s4], $0x0  }
0x19: {  	s7 =	sld [smem:$0x3F9B]  }
0x1a: {  	s8 =	sadd.s32 $0xFFFFE003, lr  }
0x1b: {  	s9 =	sadd.s32 $0xFFFFFEF7, lr;
	s5 =	simm.s32 $0xFFFFFFFF;
	p2 =	slt.u32 s8, $0xFFFFF086  }
0x1c: {  	p1 =	slt.u32 s9, $0xF7A;
	s5 =	simm.s32 @!p2 $0x0  }
0x1d: {  	s5 =	simm.s32 @p1 $0x1;
	p0 =	seq.s32 s7, s2  }
0x1e: {  	s7 =	smul.u32 @!p0 $0xF7A, s2;
	p2 =	seq.s32 @!p0 s5, $0x0  }
0x1f: {  	s9 =	smul.u32 $0xF7A, s1;
	s8 =	simm.s32 @!p0 $0x1BF5;
	p2 =	por !p2, p0  }
0x20: {  	[sflag:s8] =	ssyncset.s32 @!p0 $0xFFFFF086;
	s6 =	sadd.s32 @!p0 s3, s7;
	s7 =	simm.s32 @!p0 $0x108  }
0x21: {  	s3 =	sadd.s32 s3, s9;
	s6 =	sadd.s32 @!p0 $0x88, s6;
	s7 =	simm.s32 @p2 $0x1082  }
0x22: {  	[simem:s7], [sflag:s8] =	dma.local @!p0 [hbm:s6], $0xF7A  }
0x23: {  	s9 =	sor.u32 $0xD0000000, s2;
	s6 =	simm.s32 $0x108;
	_ =	swait.ge @!p0 [sflag:s8], $0x0  }
0x24: {  	s3 =	sadd.s32 $0x88, s3;
	s6 =	simm.s32 @!p1 $0x1082;
	[sflag:s4] =	ssyncset.s32 $0xFFFFF086  }
0x25: {  	[simem:s6], [sflag:s4] =	dma.local [hbm:s3], $0xF7A  }
0x26: {  	[smem:$0x3F9B] =	sst s1;
	(tag) =	ssettag s2;
	_ =	strace s9  }
0x27: {  	s1 =	sld [smem:$0x3FAB]  }
0x28: {  	s2 =	sld [smem:$0x3FAC]  }
0x29: {  	s4 =	sld [smem:$0x3FAE]  }
0x2a: {  	p0 =	seq.s32 s5, $0x0;
	s5 =	sld [smem:$0x3FAF]  }
0x2b: {  	s6 =	sld [smem:$0x3FB0]  }
0x2c: {  	s7 =	sld [smem:$0x3FB1]  }
0x2d: {  	s3 =	simm.s32 $0x108;
	s8 =	sld [smem:$0x3FB2]  }
0x2e: {  	s3 =	simm.s32 @!p0 $0x1082;
	s9 =	sld [smem:$0x3FB3]  }
0x2f: {  	lr =	sadd.s32 s0, s3;
	s0 =	sld [smem:$0x3FAA]  }
0x30: {  	s3 =	sld [smem:$0x3FAD]  }
0x31: {  	[smem:$0x3FB6] =	sst s10  }
0x32: {  	s10 =	sld [smem:$0x3FB4];
	_ =	sdelay $0x3  }
0x33: {  	p0 =	seq.s32 s10, $0x1;
	s10 =	sld [smem:$0x3FB6];
	_ =	sdelay $0x3  }
0x34: {  	[smem:$0x3FB6] =	sst s10  }
0x35: {  	s10 =	sld [smem:$0x3FB5];
	_ =	sdelay $0x3  }
0x36: {  	p1 =	seq.s32 s10, $0x1;
	s10 =	sld [smem:$0x3FB6];
	_ =	sdelay $0x3  }
0x37: {  	[smem:$0x3FB6] =	sst s10  }
0x38: {  	s10 =	sld [smem:$0x3FB7]  }
0x39: {  	_ = 	snop;
	(pc) =	sbr.ind lr, $3  }
0x3a: {  	_ = 	snop  }
0x3b: {  	_ = 	snop  }
0x3c: {  	p2 =	seq.s32 s10, $0x1;
	s10 =	sld [smem:$0x3FB6]  }
0x3d: {  	_ =	shalt  }
0x3e: {  	_ =	shalt  }
0x3f: {  	_ =	shalt  }
0x40: {  	_ =	shalt  }
0x41: {  	_ =	shalt  }
0x42: {  	_ =	shalt  }
0x43: {  	_ =	shalt  }
0x44: {  	_ =	shalt  }
0x45: {  	_ =	shalt  }
0x46: {  	_ =	shalt  }
0x47: {  	_ =	shalt  }
0x48: {  	_ =	shalt  }
0x49: {  	_ =	shalt  }
0x4a: {  	_ =	shalt  }
0x4b: {  	_ =	shalt  }
0x4c: {  	_ =	shalt  }
0x4d: {  	_ =	shalt  }
0x4e: {  	_ =	shalt  }
0x4f: {  	_ =	shalt  }
0x50: {  	_ =	shalt  }
0x51: {  	_ =	shalt  }
0x52: {  	_ =	shalt  }
0x53: {  	_ =	shalt  }
0x54: {  	_ =	shalt  }
0x55: {  	_ =	shalt  }
0x56: {  	_ =	shalt  }
0x57: {  	_ =	shalt  }
0x58: {  	_ =	shalt  }
0x59: {  	_ =	shalt  }
0x5a: {  	_ =	shalt  }
0x5b: {  	_ =	shalt  }
0x5c: {  	_ =	shalt  }
0x5d: {  	_ =	shalt  }
0x5e: {  	_ =	shalt  }
0x5f: {  	_ =	shalt  }
0x60: {  	_ =	shalt  }
0x61: {  	_ =	shalt  }
0x62: {  	_ =	shalt  }
0x63: {  	_ =	shalt  }
0x64: {  	_ =	shalt  }
0x65: {  	_ =	shalt  }
0x66: {  	_ =	shalt  }
0x67: {  	_ =	shalt  }
0x68: {  	_ =	shalt  }
0x69: {  	_ =	shalt  }
0x6a: {  	_ =	shalt  }
0x6b: {  	_ =	shalt  }
0x6c: {  	_ =	shalt  }
0x6d: {  	_ =	shalt  }
0x6e: {  	_ =	shalt  }
0x6f: {  	_ =	shalt  }
0x70: {  	_ =	shalt  }
0x71: {  	_ =	shalt  }
0x72: {  	_ =	shalt  }
0x73: {  	_ =	shalt  }
0x74: {  	_ =	shalt  }
0x75: {  	_ =	shalt  }
0x76: {  	_ =	shalt  }
0x77: {  	_ =	shalt  }
0x78: {  	_ =	shalt  }
0x79: {  	_ =	shalt  }
0x7a: {  	_ =	shalt  }
0x7b: {  	_ =	shalt  }
0x7c: {  	_ =	shalt  }
0x7d: {  	_ =	shalt  }
0x7e: {  	_ =	shalt  }
0x7f: {  	_ =	shalt  }
0x80: {  	_ =	shalt  }
0x81: {  	_ =	shalt  }
0x82: {  	_ =	shalt  }
0x83: {  	_ =	shalt  }
0x84: {  	_ =	shalt  }
0x85: {  	_ =	shalt  }
0x86: {  	_ =	shalt  }
0x87: {  	_ =	shalt  }
.Lfunc_end0:
.L_simem_size_0:
called_computation_lowered:
.L_overlay_start_0:
0x88: {  	s0 =	sld [smem:$0x3FD9]  }
0x89: {  	s1 =	sld [smem:$0x3FFE];
	_ =	sdelay $0x3  }
0x8a: {  	s0 =	sadd.s32 s1, s0  }
0x8b: {  	[smem:$0x3FC2] =	sst s0  }
0x8c: {  	_ = 	snop  }
0x8d: {  	s0 =	sld [smem:$0x3FC7]  }
0x8e: {  	s16 =	sld [smem:$0x3FC6]  }
0x8f: {  	s2 =	sld [smem:$0x3FD0];
	(tm) =	ssettm $0x1  }
0x90: {  	s3 =	sld [smem:$0x3FFB];
	_ =	sdelay $0x3  }
0x91: {  	_ =	strace s3  }
0x92: {  	s3 =	sld [smem:$0x3FFC];
	_ =	sdelay $0x3  }
0x93: {  	_ =	strace s3  }
0x94: {  	s3 =	sld [smem:$0x3FFD];
	_ =	sdelay $0x3  }
0x95: {  	_ =	strace s3  }
0x96: {  	_ =	strace $0x8FFFFFFF  }
0x97: {  	s17 =	sld [smem:$0x3FDB];
	_ =	sdelay $0x1  }
0x98: {  	s4 =	simm.s32 $_scs_section_size  }
0x99: {  	s5 =	simm.s32 $_size__tile_overlayer_lowered;
	s6 =	simm.s32 $_tile_overlayer_lowered  }
0x9a: {  	s20 =	simm.s32 $0x1BFF;
	s19 =	sshll.u32 s6, $0x1;
	s3 =	sadd.s32 s4, s17  }
0x9b: {  	s7 =	simm.s32 $0x0;
	s18 =	sshll.u32 s5, $0x1;
	s5 =	sadd.s32 s19, s3  }
0x9c: {  	[timem:s7], [sflag:s20] =	dma.local [hbm:s5], s18  }
0x9d: {  	_ =	swait.ge [sflag:s20], s18  }
0x9e: {  	s4 =	ssub.s32 $0x0, s18;
	[sflag:s20] =	ssyncset.done $0x0  }
0x9f: {  	[sflag:s20] =	ssyncadd.s32 s4;
	_ =	sdelay $0x1  }
0xa0: {  	s21 =	simm.s32 $0x1B8B  }
0xa1: {  	_ =	swait.ge [sflag:s21], $0x1  }
0xa2: {  	[sflag:s21] =	ssyncset.done $0x0  }
0xa3: {  	s23 =	simm.s32 $0x1B8E;
	s22 =	sld [smem:$0x3FFE];
	[sflag:s21] =	ssyncadd.s32 $0xFFFFFFFF  }
0xa4: {  	s24 =	simm.s32 $execute0_lowered;
	[smem:$0x3FD2] =	sst s23  }
0xa5: {  	s5 =	sshll.u32 s24, $0x1;
	_ =	strace $0x80000046;
	[dreg:$0x1] =	wrdreg $0xFFFFFFFF  }
0xa6: {  	s25 =	simm.s32 $_size_execute0_lowered;
	s3 =	sadd.s32 s3, s5;
	[dreg:$0x0] =	wrdreg $0x0  }
0xa7: {  	s5 =	sshll.u32 s25, $0x1;
	[dreg:$0x2] =	wrdreg s3  }
0xa8: {  	[dreg:$0x3] =	wrdreg s5  }
0xa9: {  	[dreg:$0x4] =	wrdreg $0xC0  }
0xaa: {  	_ =	task [dreg:s7], $0x5FFFF  }
0xab: {  	[dreg:$0x1] =	wrdreg $0xFFFFFFFF  }
0xac: {  	[dreg:$0x0] =	wrdreg $0x60  }
0xad: {  	[dreg:$0x2] =	wrdreg s22  }
0xae: {  	[dreg:$0x3] =	wrdreg s0  }
0xaf: {  	[dreg:$0x4] =	wrdreg s16  }
0xb0: {  	[dreg:$0x5] =	wrdreg s2  }
0xb1: {  	[dreg:$0x6] =	wrdreg $0x9  }
0xb2: {  	_ =	task.clear_ibuf [dreg:s7], $0x7FFFF;
	_ =	strace $0x90000046  }
0xb3: {  	s26 =	simm.s32 $0x9;
	_ =	strace $0x80000048  }
0xb4: {  	_ =	swait.ge [sflag:s26], $0x1  }
0xb5: {  	[sflag:s26] =	ssyncadd.s32 $0xFFFFFFFF  }
0xb6: {  	_ =	strace $0x90000048  }
0xb7: {  	_ =	sfence  }
0xb8: {  	s28 =	sld [smem:$0x0];
	_ =	sdelay $0x1  }
0xb9: {  	s29 =	srdreg.scid  }
0xba: {  	s30 =	sshll.u32 s29, $0xD;
	s31 =	sshrl.u32 s29, $0x2  }
0xbb: {  	s1 =	sand.u32 $0x1, s29;
	s2 =	sand.u32 $0x4000, s30;
	s0 =	sadd.s32 s31, s28  }
0xbc: {  	s1 =	sor.u32 s2, s1;
	s0 =	sshll.u32 s0, $0x11  }
0xbd: {  	s0 =	sor.u32 s0, s1  }
0xbe: {  	s0 =	sadd.s32 $0x8F2B, s0  }
0xbf: {  	[sflag:s0] =	ssyncadd.remote.s32 $0x1  }
0xc0: {  	_ =	sfence.sel $0xFFFF  }
0xc1: {  	[dreg:$0x0] =	wrdreg $0xFFFFFFFF;
	(pc) =	sbr.abs _section_cstart, $3  }
0xc2: {  	[dreg:$0x1] =	wrdreg $0xFFFFFFFF  }
0xc3: {  	_ =	task.clear_ibuf [dreg:s7], $0x2FFFF;
	_ =	strace $0x9FFFFFFF  }
0xc4: {  	(tm) =	ssettm $0x7FFFFFFF  }
0xc5: {  	_ =	shalt  }
tec
execute0_lowered:
.L_overlay_start_1:
0x0: {  	(tag) =	ssettag $0x1  }
0x1: {  	s3 =	stileid.u32  }
0x2: {  	s4 =	rddreg [dreg:$0x0];
	p0 =	sne.s32 s3, $0x0  }
.Ltmp0:
0x3: {  	s6 =	rddreg [dreg:$0x1];
	(pc) =	sbr.rel @p0 .LBB2_2-.Ltmp0, $4  }
0x4: {  	s5 =	rddreg [dreg:$0x2]  }
0x5: {  	s1 =	rddreg [dreg:$0x3];
	s2 =	simm.s32 $0x0  }
0x6: {  	[smem:$0x7FF] =	sst s2  }
0x7: {  	s0 =	rddreg [dreg:$0x4];
	_ =	strace $0x80000047  }
0x8: {  	s3 =	sadd.s32 $0x6400, s4  }
0x9: {  	[tilespmem:s2], [sflag:$0x2] =	stream.linear.gather [hbm4b:s3+s2], $0x80, $0x38;
	[tilespmem:$0x4200] =	vst v63  }
0xa: {  	s3 =	simm.s32 $0x2  }
0xb: {  	_ =	swait.ge [sflag:s3], $0x80  }
0xc: {  	[sflag:s3] =	ssyncset.done $0x0  }
0xd: {  	[sflag:s3] =	ssyncadd.s32 $0xFFFFFF80  }
0xe: {  	v0 =	vld [tilespmem:$0x0];
	_ =	sdelay $0x4  }
0xf: {  	(v2sf) =	vpush v0, $0x0;
	_ =	sdelay $0x1  }
0x10: {  	(v2sf) =	vpush v0, $0x8;
	_ =	sdelay $0xc  }
0x11: {  	s10 =	simm.s32 $0x1;
	s20 =	simm.s32 $0x400;
	s7 =	spop (v2sf)  }
0x12: {  	s8 =	sand.u32 $0x7F, s7;
	s9 =	sshra.s32 s7, $0x1F;
	p1 =	slt.s32 s7, $0x1  }
0x13: {  	s16 =	spop (v2sf);
	p2 =	sne.s32 s8, $0x0;
	s9 =	sshrl.u32 s9, $0x19  }
0x14: {  	s11 =	sand.u32 $0x7F, s16;
	s12 =	sshra.s32 s16, $0x1F;
	p5 =	slt.s32 s16, $0x1  }
0x15: {  	p1 =	por !p1, !p2;
	s9 =	sadd.s32 s9, s7;
	p6 =	sne.s32 s11, $0x0  }
0x16: {  	s17 =	sshrl.u32 s12, $0x19;
	s11 =	simm.s32 $0x1;
	p1 =	por !p1, !p1  }
0x17: {  	s9 =	sshra.s32 s9, $0x7;
	s10 =	simm.s32 @!p1 $0x0;
	p1 =	por !p5, !p6  }
0x18: {  	s9 =	ssub.s32 s9, s10;
	s10 =	sadd.s32 s17, s16;
	p1 =	por !p1, !p1  }
0x19: {  	s18 =	sshll.u32 s9, $0x7;
	s10 =	sshra.s32 s10, $0x7;
	s11 =	simm.s32 @!p1 $0x0  }
0x1a: {  	s14 =	simm.s32 $0xC3800;
	s10 =	ssub.s32 s10, s11;
	s19 =	sand.u32 $0x1FFFFF80, s18  }
0x1b: {  	s15 =	simm.s32 $0x80;
	s13 =	sshll.u32 s10, $0x7;
	s6 =	sadd.s32 s6, s19  }
0x1c: {  	[tilespmem:s15], [sflag:$0x1] =	stream.strided.gather [hbm4b:s6+s20], $0x2000, s14, s20, $0x38;
	[tilespmem:$0x4200] =	vst v63  }
0x1d: {  	s21 =	sand.u32 $0x1FFFFF80, s13  }
0x1e: {  	s22 =	simm.s32 $0x2080;
	s23 =	sshll.u32 s9, $0x4;
	s5 =	sadd.s32 s5, s21  }
0x1f: {  	[tilespmem:s22], [sflag:$0x1] =	stream.strided.gather [hbm4b:s5+s20], $0x2000, s14, s20, $0x38;
	[tilespmem:$0x4200] =	vst v63  }
0x20: {  	s5 =	sand.u32 $0x1FFFFFF0, s23  }
0x21: {  	s24 =	simm.s32 $0x4080;
	s25 =	sshll.u32 s10, $0x4;
	s5 =	sadd.s32 s4, s5  }
0x22: {  	[tilespmem:s24], [sflag:$0x1] =	stream.linear.gather [hbm4b:s5+s2], $0x80, $0x38;
	[tilespmem:$0x4200] =	vst v63  }
0x23: {  	s26 =	sadd.s32 $0x3200, s4;
	s5 =	sand.u32 $0x1FFFFFF0, s25  }
0x24: {  	s28 =	simm.s32 $0x1;
	s29 =	simm.s32 $0x4100;
	s4 =	sadd.s32 s26, s5  }
0x25: {  	[tilespmem:s29], [sflag:$0x1] =	stream.linear.gather [hbm4b:s4+s2], $0x80, $0x38;
	[tilespmem:$0x4200] =	vst v63  }
0x26: {  	_ =	swait.ge [sflag:s28], $0x2000  }
0x27: {  	[sflag:s28] =	ssyncset.done $0x0  }
0x28: {  	[sflag:s28] =	ssyncadd.s32 $0xFFFFE000  }
0x29: {  	_ =	swait.ge [sflag:s28], $0x2000  }
0x2a: {  	[sflag:s28] =	ssyncset.done $0x0  }
0x2b: {  	[sflag:s28] =	ssyncadd.s32 $0xFFFFE000  }
0x2c: {  	_ =	swait.ge [sflag:s28], $0x80  }
0x2d: {  	[sflag:s28] =	ssyncset.done $0x0  }
0x2e: {  	s7 =	ssub.s32 s7, s18;
	[sflag:s28] =	ssyncadd.s32 $0xFFFFFF80  }
0x2f: {  	p1 =	slt.s32 s7, $0x70;
	s6 =	smov.u32 s7;
	_ =	swait.ge [sflag:s28], $0x80  }
0x30: {  	s30 =	ssub.s32 s16, s13;
	s6 =	simm.s32 @!p1 $0x70;
	[sflag:s28] =	ssyncset.done $0x0  }
0x31: {  	p1 =	slt.s32 s30, $0x70;
	s5 =	smov.u32 s30;
	[sflag:s28] =	ssyncadd.s32 $0xFFFFFF80  }
0x32: {  	s7 =	ssub.s32 s7, s6;
	s5 =	simm.s32 @!p1 $0x70;
	v1 =	vld [tilespmem:s6+$0x80]  }
0x33: {  	v27 =	vmov s7;
	v2 =	vld [tilespmem:s5+$0x2080]  }
0x34: {  	v0 =	vand.u32 $0xF, v27;
	v3 =	vld [tilespmem:s6+$0x100]  }
0x35: {  	v0 =	vbroadcast v0, $0x0;
	v4 =	vld [tilespmem:s5+$0x2100]  }
0x36: {  	v5 =	vld [tilespmem:s6+$0x180]  }
0x37: {  	v6 =	vld [tilespmem:s5+$0x2180];
	v1 =	vperm.xlane v1, v0  }
0x38: {  	v7 =	vld [tilespmem:s6+$0x200]  }
0x39: {  	v29 =	vld [tilespmem:s5+$0x2200];
	v28 =	vperm.xlane v3, v0;
	v1 =	vmul.f32 v1, v2  }
0x3a: {  	v8 =	vld [tilespmem:s6+$0x280]  }
0x3b: {  	v31 =	vld [tilespmem:s5+$0x2280];
	v30 =	vperm.xlane v5, v0;
	v2 =	vmul.f32 v28, v4;
	v1 =	vadd.f32 $0.0e+00, v1  }
0x3c: {  	v9 =	vld [tilespmem:s6+$0x300]  }
0x3d: {  	v34 =	vld [tilespmem:s5+$0x2300];
	v33 =	vperm.xlane v7, v0;
	v32 =	vmul.f32 v30, v6;
	v1 =	vadd.f32 v2, v1  }
0x3e: {  	v35 =	vld [tilespmem:s6+$0x380]  }
0x3f: {  	v38 =	vld [tilespmem:s5+$0x2380];
	v37 =	vperm.xlane v8, v0;
	v36 =	vmul.f32 v33, v29;
	v1 =	vadd.f32 v32, v1  }
0x40: {  	v39 =	vld [tilespmem:s6+$0x400]  }
0x41: {  	v42 =	vld [tilespmem:s5+$0x2400];
	v41 =	vperm.xlane v9, v0;
	v40 =	vmul.f32 v37, v31;
	v1 =	vadd.f32 v36, v1  }
0x42: {  	v43 =	vld [tilespmem:s6+$0x480]  }
0x43: {  	v46 =	vld [tilespmem:s5+$0x2480];
	v45 =	vperm.xlane v35, v0;
	v44 =	vmul.f32 v41, v34;
	v1 =	vadd.f32 v40, v1  }
0x44: {  	v47 =	vld [tilespmem:s6+$0x500]  }
0x45: {  	v50 =	vld [tilespmem:s5+$0x2500];
	v49 =	vperm.xlane v39, v0;
	v48 =	vmul.f32 v45, v38;
	v1 =	vadd.f32 v44, v1  }
0x46: {  	v51 =	vld [tilespmem:s6+$0x580]  }
0x47: {  	v54 =	vld [tilespmem:s5+$0x2580];
	v53 =	vperm.xlane v43, v0;
	v52 =	vmul.f32 v49, v42;
	v1 =	vadd.f32 v48, v1  }
0x48: {  	v55 =	vld [tilespmem:s6+$0x600]  }
0x49: {  	v58 =	vld [tilespmem:s5+$0x2600];
	v57 =	vperm.xlane v47, v0;
	v56 =	vmul.f32 v53, v46;
	v1 =	vadd.f32 v52, v1  }
0x4a: {  	v59 =	vld [tilespmem:s6+$0x680]  }
0x4b: {  	v62 =	vld [tilespmem:s5+$0x2680];
	v61 =	vperm.xlane v51, v0;
	v60 =	vmul.f32 v57, v50;
	v1 =	vadd.f32 v56, v1  }
0x4c: {  	v63 =	vld [tilespmem:s6+$0x700]  }
0x4d: {  	v14 =	vld [tilespmem:s5+$0x2700];
	v13 =	vperm.xlane v55, v0;
	v12 =	vmul.f32 v61, v54;
	v1 =	vadd.f32 v60, v1  }
0x4e: {  	v15 =	vld [tilespmem:s6+$0x780]  }
0x4f: {  	v18 =	vld [tilespmem:s5+$0x2780];
	v17 =	vperm.xlane v59, v0;
	v16 =	vmul.f32 v13, v58;
	v1 =	vadd.f32 v12, v1  }
0x50: {  	v19 =	vld [tilespmem:s6+$0x800]  }
0x51: {  	v22 =	vld [tilespmem:s5+$0x2800];
	v21 =	vperm.xlane v63, v0;
	v20 =	vmul.f32 v17, v62;
	v1 =	vadd.f32 v16, v1  }
0x52: {  	v23 =	vld [tilespmem:s6+$0x880]  }
0x53: {  	v26 =	vld [tilespmem:s5+$0x2880];
	v25 =	vperm.xlane v15, v0;
	v24 =	vmul.f32 v21, v14;
	v1 =	vadd.f32 v20, v1  }
0x54: {  	v27 =	vld [tilespmem:s6+$0x900]  }
0x55: {  	v28 =	vmul.f32 v25, v18;
	v29 =	vperm.xlane v19, v0;
	v30 =	vld [tilespmem:s5+$0x2900];
	v1 =	vadd.f32 v24, v1  }
0x56: {  	v31 =	vld [tilespmem:s6+$0x980]  }
0x57: {  	v35 =	vld [tilespmem:s6+$0xA00];
	v33 =	vperm.xlane v23, v0;
	v32 =	vmul.f32 v29, v22;
	v1 =	vadd.f32 v28, v1  }
0x58: {  	v34 =	vld [tilespmem:s5+$0x2980]  }
0x59: {  	v39 =	vld [tilespmem:s6+$0xA80];
	v37 =	vperm.xlane v27, v0;
	v36 =	vmul.f32 v33, v26;
	v1 =	vadd.f32 v32, v1  }
0x5a: {  	v38 =	vld [tilespmem:s5+$0x2A00]  }
0x5b: {  	v43 =	vld [tilespmem:s6+$0xB00];
	v41 =	vperm.xlane v31, v0;
	v40 =	vmul.f32 v37, v30;
	v1 =	vadd.f32 v36, v1  }
0x5c: {  	v42 =	vld [tilespmem:s5+$0x2A80]  }
0x5d: {  	v47 =	vld [tilespmem:s6+$0xB80];
	v45 =	vperm.xlane v35, v0;
	v44 =	vmul.f32 v41, v34;
	v1 =	vadd.f32 v40, v1  }
0x5e: {  	v46 =	vld [tilespmem:s5+$0x2B00]  }
0x5f: {  	v51 =	vld [tilespmem:s6+$0xC00];
	v49 =	vperm.xlane v39, v0;
	v48 =	vmul.f32 v45, v38;
	v1 =	vadd.f32 v44, v1  }
0x60: {  	v50 =	vld [tilespmem:s5+$0x2B80]  }
0x61: {  	v55 =	vld [tilespmem:s6+$0xC80];
	v53 =	vperm.xlane v43, v0;
	v52 =	vmul.f32 v49, v42;
	v1 =	vadd.f32 v48, v1  }
0x62: {  	v54 =	vld [tilespmem:s5+$0x2C00]  }
0x63: {  	v59 =	vld [tilespmem:s6+$0xD00];
	v57 =	vperm.xlane v47, v0;
	v56 =	vmul.f32 v53, v46;
	v1 =	vadd.f32 v52, v1  }
0x64: {  	v58 =	vld [tilespmem:s5+$0x2C80]  }
0x65: {  	v63 =	vld [tilespmem:s6+$0xD80];
	v61 =	vperm.xlane v51, v0;
	v60 =	vmul.f32 v57, v50;
	v1 =	vadd.f32 v56, v1  }
0x66: {  	v62 =	vld [tilespmem:s5+$0x2D00]  }
0x67: {  	v13 =	vld [tilespmem:s6+$0xE00];
	v11 =	vperm.xlane v55, v0;
	v10 =	vmul.f32 v61, v54;
	v1 =	vadd.f32 v60, v1  }
0x68: {  	v12 =	vld [tilespmem:s5+$0x2D80]  }
0x69: {  	v17 =	vld [tilespmem:s6+$0xE80];
	v15 =	vperm.xlane v59, v0;
	v14 =	vmul.f32 v11, v58;
	v1 =	vadd.f32 v10, v1  }
0x6a: {  	v16 =	vld [tilespmem:s5+$0x2E00]  }
0x6b: {  	v21 =	vld [tilespmem:s6+$0xF00];
	v19 =	vperm.xlane v63, v0;
	v18 =	vmul.f32 v15, v62;
	v1 =	vadd.f32 v14, v1  }
0x6c: {  	v20 =	vld [tilespmem:s5+$0x2E80]  }
0x6d: {  	v25 =	vld [tilespmem:s6+$0xF80];
	v23 =	vperm.xlane v13, v0;
	v22 =	vmul.f32 v19, v12;
	v1 =	vadd.f32 v18, v1  }
0x6e: {  	v24 =	vld [tilespmem:s5+$0x2F00]  }
0x6f: {  	v27 =	vperm.xlane v17, v0;
	v29 =	vld [tilespmem:s6+$0x1000];
	v26 =	vmul.f32 v23, v16;
	v1 =	vadd.f32 v22, v1  }
0x70: {  	v28 =	vld [tilespmem:s5+$0x2F80]  }
0x71: {  	v31 =	vperm.xlane v21, v0;
	v33 =	vld [tilespmem:s6+$0x1080];
	v30 =	vmul.f32 v27, v20;
	v1 =	vadd.f32 v26, v1  }
0x72: {  	v32 =	vld [tilespmem:s5+$0x3000]  }
0x73: {  	v35 =	vperm.xlane v25, v0;
	v37 =	vld [tilespmem:s6+$0x1100];
	v34 =	vmul.f32 v31, v24;
	v1 =	vadd.f32 v30, v1  }
0x74: {  	v36 =	vld [tilespmem:s5+$0x3080]  }
0x75: {  	v39 =	vperm.xlane v29, v0;
	v41 =	vld [tilespmem:s6+$0x1180];
	v38 =	vmul.f32 v35, v28;
	v1 =	vadd.f32 v34, v1  }
0x76: {  	v40 =	vld [tilespmem:s5+$0x3100]  }
0x77: {  	v43 =	vperm.xlane v33, v0;
	v45 =	vld [tilespmem:s6+$0x1200];
	v42 =	vmul.f32 v39, v32;
	v1 =	vadd.f32 v38, v1  }
0x78: {  	v44 =	vld [tilespmem:s5+$0x3180]  }
0x79: {  	v47 =	vperm.xlane v37, v0;
	v49 =	vld [tilespmem:s6+$0x1280];
	v46 =	vmul.f32 v43, v36;
	v1 =	vadd.f32 v42, v1  }
0x7a: {  	v48 =	vld [tilespmem:s5+$0x3200]  }
0x7b: {  	v51 =	vperm.xlane v41, v0;
	v53 =	vld [tilespmem:s6+$0x1300];
	v50 =	vmul.f32 v47, v40;
	v1 =	vadd.f32 v46, v1  }
0x7c: {  	v52 =	vld [tilespmem:s5+$0x3280]  }
0x7d: {  	v55 =	vperm.xlane v45, v0;
	v57 =	vld [tilespmem:s6+$0x1380];
	v54 =	vmul.f32 v51, v44;
	v1 =	vadd.f32 v50, v1  }
0x7e: {  	v56 =	vld [tilespmem:s5+$0x3300]  }
0x7f: {  	v61 =	vld [tilespmem:s6+$0x1400];
	v59 =	vperm.xlane v49, v0;
	v58 =	vmul.f32 v55, v48;
	v1 =	vadd.f32 v54, v1  }
0x80: {  	v60 =	vld [tilespmem:s5+$0x3380]  }
0x81: {  	v13 =	vld [tilespmem:s6+$0x1480];
	v63 =	vperm.xlane v53, v0;
	v62 =	vmul.f32 v59, v52;
	v1 =	vadd.f32 v58, v1  }
0x82: {  	v12 =	vld [tilespmem:s5+$0x3400]  }
0x83: {  	v17 =	vld [tilespmem:s6+$0x1500];
	v15 =	vperm.xlane v57, v0;
	v14 =	vmul.f32 v63, v56;
	v1 =	vadd.f32 v62, v1  }
0x84: {  	v16 =	vld [tilespmem:s5+$0x3480]  }
0x85: {  	v21 =	vld [tilespmem:s6+$0x1580];
	v19 =	vperm.xlane v61, v0;
	v18 =	vmul.f32 v15, v60;
	v1 =	vadd.f32 v14, v1  }
0x86: {  	v20 =	vld [tilespmem:s5+$0x3500]  }
0x87: {  	v25 =	vld [tilespmem:s6+$0x1600];
	v23 =	vperm.xlane v13, v0;
	v22 =	vmul.f32 v19, v12;
	v1 =	vadd.f32 v18, v1  }
0x88: {  	v24 =	vld [tilespmem:s5+$0x3580]  }
0x89: {  	v29 =	vld [tilespmem:s6+$0x1680];
	v27 =	vperm.xlane v17, v0;
	v26 =	vmul.f32 v23, v16;
	v1 =	vadd.f32 v22, v1  }
0x8a: {  	v28 =	vld [tilespmem:s5+$0x3600]  }
0x8b: {  	v33 =	vld [tilespmem:s6+$0x1700];
	v31 =	vperm.xlane v21, v0;
	v30 =	vmul.f32 v27, v20;
	v1 =	vadd.f32 v26, v1  }
0x8c: {  	v32 =	vld [tilespmem:s5+$0x3680]  }
0x8d: {  	v37 =	vld [tilespmem:s6+$0x1780];
	v35 =	vperm.xlane v25, v0;
	v34 =	vmul.f32 v31, v24;
	v1 =	vadd.f32 v30, v1  }
0x8e: {  	v36 =	vld [tilespmem:s5+$0x3700]  }
0x8f: {  	v41 =	vld [tilespmem:s6+$0x1800];
	v39 =	vperm.xlane v29, v0;
	v38 =	vmul.f32 v35, v28;
	v1 =	vadd.f32 v34, v1  }
0x90: {  	v40 =	vld [tilespmem:s5+$0x3780]  }
0x91: {  	v45 =	vld [tilespmem:s6+$0x1880];
	v43 =	vperm.xlane v33, v0;
	v42 =	vmul.f32 v39, v32;
	v1 =	vadd.f32 v38, v1  }
0x92: {  	v44 =	vld [tilespmem:s5+$0x3800]  }
0x93: {  	v49 =	vld [tilespmem:s6+$0x1900];
	v47 =	vperm.xlane v37, v0;
	v46 =	vmul.f32 v43, v36;
	v1 =	vadd.f32 v42, v1  }
0x94: {  	v48 =	vld [tilespmem:s5+$0x3880]  }
0x95: {  	v53 =	vld [tilespmem:s6+$0x1980];
	v51 =	vperm.xlane v41, v0;
	v50 =	vmul.f32 v47, v40;
	v1 =	vadd.f32 v46, v1  }
0x96: {  	v52 =	vld [tilespmem:s5+$0x3900]  }
0x97: {  	v57 =	vld [tilespmem:s6+$0x1A00];
	v55 =	vperm.xlane v45, v0;
	v54 =	vmul.f32 v51, v44;
	v1 =	vadd.f32 v50, v1  }
0x98: {  	v56 =	vld [tilespmem:s5+$0x3980]  }
0x99: {  	v61 =	vld [tilespmem:s6+$0x1A80];
	v59 =	vperm.xlane v49, v0;
	v58 =	vmul.f32 v55, v48;
	v1 =	vadd.f32 v54, v1  }
0x9a: {  	v60 =	vld [tilespmem:s5+$0x3A00]  }
0x9b: {  	v13 =	vld [tilespmem:s6+$0x1B00];
	v63 =	vperm.xlane v53, v0;
	v62 =	vmul.f32 v59, v52;
	v1 =	vadd.f32 v58, v1  }
0x9c: {  	v12 =	vld [tilespmem:s5+$0x3A80]  }
0x9d: {  	v17 =	vld [tilespmem:s6+$0x1B80];
	v15 =	vperm.xlane v57, v0;
	v14 =	vmul.f32 v63, v56;
	v1 =	vadd.f32 v62, v1  }
0x9e: {  	v16 =	vld [tilespmem:s5+$0x3B00]  }
0x9f: {  	v21 =	vld [tilespmem:s6+$0x1C00];
	v19 =	vperm.xlane v61, v0;
	v18 =	vmul.f32 v15, v60;
	v1 =	vadd.f32 v14, v1  }
0xa0: {  	v20 =	vld [tilespmem:s5+$0x3B80]  }
0xa1: {  	v25 =	vld [tilespmem:s6+$0x1C80];
	v23 =	vperm.xlane v13, v0;
	v22 =	vmul.f32 v19, v12;
	v1 =	vadd.f32 v18, v1  }
0xa2: {  	v24 =	vld [tilespmem:s5+$0x3C00]  }
0xa3: {  	v29 =	vld [tilespmem:s6+$0x1D00];
	v27 =	vperm.xlane v17, v0;
	v26 =	vmul.f32 v23, v16;
	v1 =	vadd.f32 v22, v1  }
0xa4: {  	v28 =	vld [tilespmem:s5+$0x3C80]  }
0xa5: {  	v33 =	vld [tilespmem:s6+$0x1D80];
	v31 =	vperm.xlane v21, v0;
	v30 =	vmul.f32 v27, v20;
	v1 =	vadd.f32 v26, v1  }
0xa6: {  	v32 =	vld [tilespmem:s5+$0x3D00]  }
0xa7: {  	v37 =	vld [tilespmem:s6+$0x1E00];
	v35 =	vperm.xlane v25, v0;
	v34 =	vmul.f32 v31, v24;
	v1 =	vadd.f32 v30, v1  }
0xa8: {  	v36 =	vld [tilespmem:s5+$0x3D80]  }
0xa9: {  	v41 =	vld [tilespmem:s6+$0x1E80];
	v39 =	vperm.xlane v29, v0;
	v38 =	vmul.f32 v35, v28;
	v1 =	vadd.f32 v34, v1  }
0xaa: {  	v40 =	vld [tilespmem:s5+$0x3E00]  }
0xab: {  	v45 =	vld [tilespmem:s6+$0x1F00];
	v43 =	vperm.xlane v33, v0;
	v42 =	vmul.f32 v39, v32;
	v1 =	vadd.f32 v38, v1  }
0xac: {  	v44 =	vld [tilespmem:s5+$0x3E80]  }
0xad: {  	v49 =	vld [tilespmem:s6+$0x1F80];
	v47 =	vperm.xlane v37, v0;
	v46 =	vmul.f32 v43, v36;
	v1 =	vadd.f32 v42, v1  }
0xae: {  	v48 =	vld [tilespmem:s5+$0x3F00]  }
0xaf: {  	v53 =	vld [tilespmem:s6+$0x2000];
	v51 =	vperm.xlane v41, v0;
	v50 =	vmul.f32 v47, v40;
	v1 =	vadd.f32 v46, v1  }
0xb0: {  	v52 =	vld [tilespmem:s5+$0x3F80]  }
0xb1: {  	v55 =	vperm.xlane v45, v0;
	v54 =	vmul.f32 v51, v44;
	v1 =	vadd.f32 v50, v1  }
0xb2: {  	v56 =	vld [tilespmem:s5+$0x4000]  }
0xb3: {  	v57 =	vmul.f32 v55, v48;
	v58 =	vperm.xlane v49, v0;
	v1 =	vadd.f32 v54, v1;
	_ =	sdelay $0x1  }
0xb4: {  	v60 =	vperm.xlane v53, v0;
	v59 =	vmul.f32 v58, v52;
	v1 =	vadd.f32 v57, v1  }
0xb5: {  	s4 =	ssub.s32 s30, s5;
	v61 =	vld [tilespmem:s6+$0x4080]  }
0xb6: {  	v3 =	vmul.f32 v60, v56;
	v62 =	vmov s4;
	v1 =	vadd.f32 v59, v1  }
0xb7: {  	v63 =	vld [tilespmem:s5+$0x4100];
	v2 =	vand.u32 $0xF, v62  }
0xb8: {  	v2 =	vbroadcast v2, $0x0;
	v1 =	vadd.f32 v3, v1;
	_ =	sdelay $0x1  }
0xb9: {  	v0 =	vperm.xlane v61, v0;
	v1 =	vperm.xlane v1, v2;
	_ =	sdelay $0x1  }
0xba: {  	v2 =	vperm.xlane v63, v2;
	v0 =	vadd.f32 v0, v1;
	_ =	sdelay $0x1  }
0xbb: {  	v0 =	vadd.f32 v2, v0;
	_ =	sdelay $0x1  }
0xbc: {  	s31 =	simm.s32 $0x4180;
	[tilespmem:$0x4180] =	vst v0  }
0xbd: {  	[hbm4b:s1+s2] =	stream.linear.scatter [tilespmem:s31], [sflag:$0x2], $0x1, $0x38;
	[tilespmem:$0x4200] =	vst v63  }
0xbe: {  	_ =	swait.ge [sflag:s3], $0x1  }
0xbf: {  	[sflag:s3] =	ssyncset.done $0x0  }
0xc0: {  	[sflag:s3] =	ssyncadd.s32 $0xFFFFFFFF  }
.LBB2_2:
0xc1: {  	_ =	sfence.sel $0x180000  }
0xc2: {  	[bflag:$0x0] =	sbarrier.arrive $0xFFFF  }
0xc3: {  	_ =	strace $0x90000047  }
0xc4: {  	s0 =	sadd.s32 @!p0 $0x100000, s0;
	[bflag:$0x2] =	sbarrier.arrive $0xFFFF  }
0xc5: {  	[sflag:s0] =	ssyncadd.tile.s32 @!p0 $0x1;
	_ =	shalt  }
.Lfunc_end2:
_tile_overlayer_lowered:
.L_overlay_start_2:
0xc6: {  	(tag) =	ssettag $0x2  }
0xc7: {  	s0 =	rddreg [dreg:$0x0];
	s2 =	stileid.u32  }
0xc8: {  	s1 =	rddreg [dreg:$0x1];
	p0 =	sne.s32 s2, $0x0  }
0xc9: {  	s3 =	rddreg [dreg:$0x2];
	[bflag:$0x3] =	sbarrier.arrive $0xFFFF;
	s2 =	simm.s32 @!p0 $0x1C02  }
0xca: {  	[timem:s3], [sflag:s2] =	dma.local @!p0 [hbm:s0], s1  }
0xcb: {  	s0 =	simm.s32 @!p0 $0x2  }
0xcc: {  	_ =	swait.ge @!p0 [sflag:s0], s1  }
0xcd: {  	s1 =	ssub.s32 @!p0 $0x0, s1;
	[sflag:s0] =	ssyncset.done @!p0 $0x0  }
0xce: {  	[sflag:s0] =	ssyncadd.s32 @!p0 s1  }
0xcf: {  	[bflag:$0x3] =	sbarrier.arrive $0xFFFF  }
0xd0: {  	_ =	shalt  }

</sc_bundles>
